<compile_context>
chip_gen: v7x
topology: tpu7x:2x2x1
jax: 0.10.2.dev20260603
libtpu: 0.0.44.dev20260713+nightly
codegen_flags: <defaults>
</compile_context>

<pallas_src>
import functools

import jax
import jax.numpy as jnp
from jax import lax
from jax.experimental import pallas as pl
from jax.experimental.pallas import tpu as pltpu
from jax.experimental.pallas import tpu_sc as plsc

_EPS = 1e-5
_PB = 400
_QB = 1000
_K = 16


def _lrelu(y):
    return jnp.where(y >= 0, y, 0.2 * y)


def _mm(a, b):
    return jnp.dot(a, b, preferred_element_type=jnp.float32)


def _gram(a, b):
    return lax.dot_general(a, b, (((0,), (0,)), ((), ())),
                           preferred_element_type=jnp.float32)


def _gather_rows(table, idx):
    B = idx.shape[0]
    D = table.shape[1]
    dt = table.dtype
    NC, NS = 2, 16
    per = B // (NC * NS)
    ch = 1000
    nch = per // ch
    mesh = plsc.VectorSubcoreMesh(core_axis_name="c", subcore_axis_name="s")

    @functools.partial(
        pl.kernel,
        out_type=jax.ShapeDtypeStruct((B, D), dt),
        mesh=mesh,
        compiler_params=pltpu.CompilerParams(use_tc_tiling_on_sc=False),
        scratch_types=[
            pltpu.VMEM((2, ch), jnp.int32),
            pltpu.VMEM((2, ch, D), dt),
            pltpu.SemaphoreType.DMA((2,)),
            pltpu.SemaphoreType.DMA,
        ],
    )
    def k(table_hbm, idx_hbm, out_hbm, idx_v, rows_v, gsem, osem):
        wid = lax.axis_index("s") * NC + lax.axis_index("c")
        base = wid * per

        def start_gather(i, slot):
            pltpu.async_copy(idx_hbm.at[pl.ds(base + i * ch, ch)],
                             idx_v.at[slot], gsem.at[slot]).wait()
            pltpu.async_copy(table_hbm.at[idx_v.at[slot]],
                             rows_v.at[slot], gsem.at[slot])

        start_gather(0, 0)

        def body(i, carry):
            slot = lax.rem(i, 2)

            @pl.when(i >= 1)
            def _():
                pltpu.make_async_copy(
                    rows_v.at[1 - slot],
                    out_hbm.at[pl.ds(base + (i - 1) * ch, ch)], osem).wait()

            @pl.when(i + 1 < nch)
            def _():
                start_gather(i + 1, 1 - slot)

            pltpu.make_async_copy(table_hbm.at[idx_v.at[slot]],
                                  rows_v.at[slot], gsem.at[slot]).wait()
            pltpu.async_copy(rows_v.at[slot],
                             out_hbm.at[pl.ds(base + i * ch, ch)], osem)
            return carry

        lax.fori_loop(0, nch, body, 0)
        pltpu.make_async_copy(
            rows_v.at[lax.rem(nch - 1, 2)],
            out_hbm.at[pl.ds(base + (nch - 1) * ch, ch)], osem).wait()

    return k(table, idx)


def _p1_feat_stats(featP, w1t, wsct):
    n = featP.shape[0]
    grid = n // _QB

    def body(x_ref, w1t_ref, wsct_ref, a1_ref, asc_ref):
        z1 = _mm(x_ref[...], w1t_ref[...])
        zsc = _mm(x_ref[...], wsct_ref[...])

        @pl.when(pl.program_id(0) == 0)
        def _():
            a1_ref[...] = jnp.zeros_like(a1_ref)
            asc_ref[...] = jnp.zeros_like(asc_ref)

        a1_ref[0:1, :] += jnp.sum(z1, axis=0, keepdims=True)
        a1_ref[1:2, :] += jnp.sum(z1 * z1, axis=0, keepdims=True)
        asc_ref[0:1, :] += jnp.sum(zsc, axis=0, keepdims=True)
        asc_ref[1:2, :] += jnp.sum(zsc * zsc, axis=0, keepdims=True)

    return pl.pallas_call(
        body,
        grid=(grid,),
        in_specs=[pl.BlockSpec((_QB, 32), lambda i: (i, 0)),
                  pl.BlockSpec((32, 32), lambda i: (0, 0)),
                  pl.BlockSpec((32, 128), lambda i: (0, 0))],
        out_specs=[pl.BlockSpec((8, 32), lambda i: (0, 0)),
                   pl.BlockSpec((8, 128), lambda i: (0, 0))],
        out_shape=[jax.ShapeDtypeStruct((8, 32), jnp.float32),
                   jax.ShapeDtypeStruct((8, 128), jnp.float32)],
    )(featP, w1t, wsct)


def _relpos_z(gx_ref, xc_ref, wd16_ref, wa_ref, wb_ref):
    p = xc_ref.shape[0]
    r = p * _K
    nx3 = gx_ref[...]
    ctr3 = jnp.broadcast_to(xc_ref[...][None, :, :], (_K, p, 16))
    rel2 = (ctr3 - nx3).reshape(r, 16)
    ones16 = jnp.ones((16, 16), jnp.float32)
    d16 = jnp.sqrt(_mm(rel2 * rel2, ones16))
    return (_mm(d16, wd16_ref[...]) + _mm(ctr3.reshape(r, 16), wa_ref[...])
            + _mm(nx3.reshape(r, 16), wb_ref[...]))


def _p1b_xyz_stats(gx3, xyzc, wd16, wa, wb):
    n = xyzc.shape[0]
    grid = n // _PB

    def body(gx_ref, xc_ref, wd16_ref, wa_ref, wb_ref, s1_ref, g_ref):
        z = _relpos_z(gx_ref, xc_ref, wd16_ref, wa_ref, wb_ref)

        @pl.when(pl.program_id(0) == 0)
        def _():
            s1_ref[...] = jnp.zeros_like(s1_ref)
            g_ref[...] = jnp.zeros_like(g_ref)

        s1_ref[0:1, :] += jnp.sum(z, axis=0, keepdims=True)
        g_ref[...] += _gram(z, z)

    return pl.pallas_call(
        body,
        grid=(grid,),
        in_specs=[pl.BlockSpec((_K, _PB, 16), lambda i: (0, i, 0)),
                  pl.BlockSpec((_PB, 16), lambda i: (i, 0)),
                  pl.BlockSpec((16, 32), lambda i: (0, 0)),
                  pl.BlockSpec((16, 32), lambda i: (0, 0)),
                  pl.BlockSpec((16, 32), lambda i: (0, 0))],
        out_specs=[pl.BlockSpec((8, 32), lambda i: (0, 0)),
                   pl.BlockSpec((32, 32), lambda i: (0, 0))],
        out_shape=[jax.ShapeDtypeStruct((8, 32), jnp.float32),
                   jax.ShapeDtypeStruct((32, 32), jnp.float32)],
    )(gx3, xyzc, wd16, wa, wb)


def _p2_fpc(featP, w1t, cn):
    n = featP.shape[0]
    grid = n // _QB

    def body(x_ref, w1t_ref, cn_ref, out_ref):
        z = _mm(x_ref[...], w1t_ref[...])
        out_ref[...] = _lrelu(z * cn_ref[0:1, :] + cn_ref[1:2, :])

    return pl.pallas_call(
        body,
        grid=(grid,),
        in_specs=[pl.BlockSpec((_QB, 32), lambda i: (i, 0)),
                  pl.BlockSpec((32, 32), lambda i: (0, 0)),
                  pl.BlockSpec((8, 32), lambda i: (0, 0))],
        out_specs=pl.BlockSpec((_QB, 32), lambda i: (i, 0)),
        out_shape=jax.ShapeDtypeStruct((n, 32), jnp.float32),
    )(featP, w1t, cn)


def _p4_stage2(g1, gx3, xyzc, cn, wd16, wa, wb, fc1t, wl2t, wap1t):
    n = xyzc.shape[0]
    grid = n // _PB
    r = _PB * _K

    def body(g1_ref, gx_ref, xc_ref, cn_ref, wd16_ref, wa_ref, wb_ref,
             fc1t_ref, wl2t_ref, wap1t_ref, zag_ref, aag_ref, sx2_ref,
             gx2_ref):
        z1 = _relpos_z(gx_ref, xc_ref, wd16_ref, wa_ref, wb_ref)
        fx1 = _lrelu(z1 * cn_ref[0:1, :] + cn_ref[1:2, :])
        fnb = g1_ref[...].reshape(r, 32)
        fcat = jnp.concatenate([fnb, fx1], axis=1)
        att = _mm(fcat, fc1t_ref[...]).reshape(_K, _PB, 64)
        e = jnp.exp(jnp.minimum(att, 60.0))
        s = jnp.sum(e, axis=0)
        w = jnp.sum(e * fcat.reshape(_K, _PB, 64), axis=0)
        agg = w / s
        zag = _mm(agg, wap1t_ref[...])
        zag_ref[...] = zag
        zx2 = _mm(fx1, wl2t_ref[...])

        @pl.when(pl.program_id(0) == 0)
        def _():
            aag_ref[...] = jnp.zeros_like(aag_ref)
            sx2_ref[...] = jnp.zeros_like(sx2_ref)
            gx2_ref[...] = jnp.zeros_like(gx2_ref)

        aag_ref[0:1, :] += jnp.sum(zag, axis=0, keepdims=True)
        aag_ref[1:2, :] += jnp.sum(zag * zag, axis=0, keepdims=True)
        sx2_ref[0:1, :] += jnp.sum(zx2, axis=0, keepdims=True)
        gx2_ref[...] += _gram(zx2, zx2)

    return pl.pallas_call(
        body,
        grid=(grid,),
        in_specs=[pl.BlockSpec((_K, _PB, 32), lambda i: (0, i, 0)),
                  pl.BlockSpec((_K, _PB, 16), lambda i: (0, i, 0)),
                  pl.BlockSpec((_PB, 16), lambda i: (i, 0)),
                  pl.BlockSpec((8, 32), lambda i: (0, 0)),
                  pl.BlockSpec((16, 32), lambda i: (0, 0)),
                  pl.BlockSpec((16, 32), lambda i: (0, 0)),
                  pl.BlockSpec((16, 32), lambda i: (0, 0)),
                  pl.BlockSpec((64, 64), lambda i: (0, 0)),
                  pl.BlockSpec((32, 32), lambda i: (0, 0)),
                  pl.BlockSpec((64, 32), lambda i: (0, 0))],
        out_specs=[pl.BlockSpec((_PB, 32), lambda i: (i, 0)),
                   pl.BlockSpec((8, 32), lambda i: (0, 0)),
                   pl.BlockSpec((8, 32), lambda i: (0, 0)),
                   pl.BlockSpec((32, 32), lambda i: (0, 0))],
        out_shape=[jax.ShapeDtypeStruct((n, 32), jnp.float32),
                   jax.ShapeDtypeStruct((8, 32), jnp.float32),
                   jax.ShapeDtypeStruct((8, 32), jnp.float32),
                   jax.ShapeDtypeStruct((32, 32), jnp.float32)],
    )(g1, gx3, xyzc, cn, wd16, wa, wb, fc1t, wl2t, wap1t)


def _p5_fagg(zag, cn):
    n = zag.shape[0]
    grid = n // _QB

    def body(z_ref, cn_ref, out_ref):
        out_ref[...] = _lrelu(z_ref[...] * cn_ref[0:1, :] + cn_ref[1:2, :])

    return pl.pallas_call(
        body,
        grid=(grid,),
        in_specs=[pl.BlockSpec((_QB, 32), lambda i: (i, 0)),
                  pl.BlockSpec((8, 32), lambda i: (0, 0))],
        out_specs=pl.BlockSpec((_QB, 32), lambda i: (i, 0)),
        out_shape=jax.ShapeDtypeStruct((n, 32), jnp.float32),
    )(zag, cn)


def _p6_stage3(g2, gx3, xyzc, cn, wd16, wa, wb, wl2t, fc2t, wap2t):
    n = xyzc.shape[0]
    grid = n // _PB
    r = _PB * _K

    def body(g2_ref, gx_ref, xc_ref, cn_ref, wd16_ref, wa_ref, wb_ref,
             wl2t_ref, fc2t_ref, wap2t_ref, zp_ref, acc_ref):
        z1 = _relpos_z(gx_ref, xc_ref, wd16_ref, wa_ref, wb_ref)
        fx1 = _lrelu(z1 * cn_ref[0:1, :] + cn_ref[1:2, :])
        zx2 = _mm(fx1, wl2t_ref[...])
        fx2 = _lrelu(zx2 * cn_ref[2:3, :] + cn_ref[3:4, :])
        fnb = g2_ref[...].reshape(r, 32)
        fcat = jnp.concatenate([fnb, fx2], axis=1)
        att = _mm(fcat, fc2t_ref[...]).reshape(_K, _PB, 64)
        e = jnp.exp(jnp.minimum(att, 60.0))
        s = jnp.sum(e, axis=0)
        w = jnp.sum(e * fcat.reshape(_K, _PB, 64), axis=0)
        agg = w / s
        zp = _mm(agg, wap2t_ref[...])
        zp_ref[...] = zp

        @pl.when(pl.program_id(0) == 0)
        def _():
            acc_ref[...] = jnp.zeros_like(acc_ref)

        acc_ref[0:1, :] += jnp.sum(zp, axis=0, keepdims=True)
        acc_ref[1:2, :] += jnp.sum(zp * zp, axis=0, keepdims=True)

    return pl.pallas_call(
        body,
        grid=(grid,),
        in_specs=[pl.BlockSpec((_K, _PB, 32), lambda i: (0, i, 0)),
                  pl.BlockSpec((_K, _PB, 16), lambda i: (0, i, 0)),
                  pl.BlockSpec((_PB, 16), lambda i: (i, 0)),
                  pl.BlockSpec((8, 32), lambda i: (0, 0)),
                  pl.BlockSpec((16, 32), lambda i: (0, 0)),
                  pl.BlockSpec((16, 32), lambda i: (0, 0)),
                  pl.BlockSpec((16, 32), lambda i: (0, 0)),
                  pl.BlockSpec((32, 32), lambda i: (0, 0)),
                  pl.BlockSpec((64, 64), lambda i: (0, 0)),
                  pl.BlockSpec((64, 64), lambda i: (0, 0))],
        out_specs=[pl.BlockSpec((_PB, 64), lambda i: (i, 0)),
                   pl.BlockSpec((8, 64), lambda i: (0, 0))],
        out_shape=[jax.ShapeDtypeStruct((n, 64), jnp.float32),
                   jax.ShapeDtypeStruct((8, 64), jnp.float32)],
    )(g2, gx3, xyzc, cn, wd16, wa, wb, wl2t, fc2t, wap2t)


def _p7_out_stats(zp, cn, wm2t):
    n = zp.shape[0]
    grid = n // _QB

    def body(zp_ref, cn_ref, wm2t_ref, acc_ref):
        fp2 = _lrelu(zp_ref[...] * cn_ref[0:1, :] + cn_ref[1:2, :])
        zo = _mm(fp2, wm2t_ref[...])

        @pl.when(pl.program_id(0) == 0)
        def _():
            acc_ref[...] = jnp.zeros_like(acc_ref)

        acc_ref[0:1, :] += jnp.sum(zo, axis=0, keepdims=True)
        acc_ref[1:2, :] += jnp.sum(zo * zo, axis=0, keepdims=True)

    return pl.pallas_call(
        body,
        grid=(grid,),
        in_specs=[pl.BlockSpec((_QB, 64), lambda i: (i, 0)),
                  pl.BlockSpec((8, 64), lambda i: (0, 0)),
                  pl.BlockSpec((64, 128), lambda i: (0, 0))],
        out_specs=pl.BlockSpec((8, 128), lambda i: (0, 0)),
        out_shape=jax.ShapeDtypeStruct((8, 128), jnp.float32),
    )(zp, cn, wm2t)


def _p8_final(zp, featP, cnp, cno, wm2t, wsct):
    n = zp.shape[0]
    grid = n // _QB

    def body(zp_ref, x_ref, cnp_ref, cno_ref, wm2t_ref, wsct_ref, out_ref):
        fp2 = _lrelu(zp_ref[...] * cnp_ref[0:1, :] + cnp_ref[1:2, :])
        zo = _mm(fp2, wm2t_ref[...])
        zs = _mm(x_ref[...], wsct_ref[...])
        y = (cno_ref[0:1, :] * zo + cno_ref[1:2, :]
             + cno_ref[2:3, :] * zs + cno_ref[3:4, :])
        out_ref[...] = _lrelu(y)

    return pl.pallas_call(
        body,
        grid=(grid,),
        in_specs=[pl.BlockSpec((_QB, 64), lambda i: (i, 0)),
                  pl.BlockSpec((_QB, 32), lambda i: (i, 0)),
                  pl.BlockSpec((8, 64), lambda i: (0, 0)),
                  pl.BlockSpec((8, 128), lambda i: (0, 0)),
                  pl.BlockSpec((64, 128), lambda i: (0, 0)),
                  pl.BlockSpec((32, 128), lambda i: (0, 0))],
        out_specs=pl.BlockSpec((_QB, 128), lambda i: (i, 0)),
        out_shape=jax.ShapeDtypeStruct((n, 128), jnp.float32),
    )(zp, featP, cnp, cno, wm2t, wsct)


def _bn_consts(acc, pp, cnt):
    m = acc[0] / cnt
    v = acc[1] / cnt - m * m
    a = pp['g'] / jnp.sqrt(v + _EPS)
    return a, pp['be'] - m * a


def _bn_consts_gram(s1, g, pp, cnt):
    m = s1[0] / cnt
    v = jnp.diagonal(g) / cnt - m * m
    a = pp['g'] / jnp.sqrt(v + _EPS)
    return a, pp['be'] - m * a


def _rows8(*vecs, width=None):
    w = width if width is not None else vecs[0].shape[0]
    out = jnp.zeros((8, w), jnp.float32)
    for i, v in enumerate(vecs):
        out = out.at[i].set(v)
    return out


def kernel(feature, xyz, neigh_idx, params):
    p = params
    featP = feature[0, :, :, 0].T
    n = featP.shape[0]
    k = neigh_idx.shape[2]
    idx = jnp.swapaxes(neigh_idx[0], 0, 1).reshape(k * n)
    xyzc = jnp.pad(xyz[0, :, :, 0].T, ((0, 0), (0, 13)))

    w1t = p['mlp1']['W'].T
    wsct = p['shortcut']['W'].T
    wl1 = p['lfa_mlp1']['W']
    wa = jnp.pad((wl1[:, 1:4] + wl1[:, 4:7]).T, ((0, 13), (0, 0)))
    wb = jnp.pad((wl1[:, 7:10] - wl1[:, 1:4]).T, ((0, 13), (0, 0)))
    wd16 = jnp.broadcast_to(wl1[:, 0][None, :] / 16.0, (16, 32))
    fc1t = p['ap1']['fc_W'].T
    wap1t = p['ap1']['mlp']['W'].T
    wl2t = p['lfa_mlp2']['W'].T
    fc2t = p['ap2']['fc_W'].T
    wap2t = p['ap2']['mlp']['W'].T
    wm2 = p['mlp2']['W']

    gx3 = _gather_rows(xyzc, idx).reshape(k, n, 16)

    acc1, accsc = _p1_feat_stats(featP, w1t, wsct)
    sx1, gx1 = _p1b_xyz_stats(gx3, xyzc, wd16, wa, wb)

    a1, c1 = _bn_consts(acc1, p['mlp1'], n)
    asc, csc = _bn_consts(accsc, p['shortcut'], n)
    ax1, cx1 = _bn_consts_gram(sx1, gx1, p['lfa_mlp1'], n * k)

    t1 = _p2_fpc(featP, w1t, _rows8(a1, c1))
    g1 = _gather_rows(t1, idx).reshape(k, n, 32)

    zag, aag, sx2, gx2 = _p4_stage2(g1, gx3, xyzc, _rows8(ax1, cx1),
                                    wd16, wa, wb, fc1t, wl2t, wap1t)
    aga, agc = _bn_consts(aag, p['ap1']['mlp'], n)
    ax2a, ax2c = _bn_consts_gram(sx2, gx2, p['lfa_mlp2'], n * k)

    t2 = _p5_fagg(zag, _rows8(aga, agc))
    g2 = _gather_rows(t2, idx).reshape(k, n, 32)

    zp, accp = _p6_stage3(g2, gx3, xyzc, _rows8(ax1, cx1, ax2a, ax2c),
                          wd16, wa, wb, wl2t, fc2t, wap2t)
    apa, apc = _bn_consts(accp, p['ap2']['mlp'], n)

    acco = _p7_out_stats(zp, _rows8(apa, apc), wm2.T)
    aoa, aoc = _bn_consts(acco, p['mlp2'], n)

    outP = _p8_final(zp, featP, _rows8(apa, apc),
                     _rows8(aoa, aoc, asc, csc), wm2.T, wsct)
    return outP.T.reshape(1, 128, n, 1)

# --- scband reference (transcript-rebuilt; emitter-appended) ---
"""Pipeline reference for scband-rand-lanet-multi-head-59579786330607 (READ-ONLY COPY).

The authoritative reference and input builder live on the scoring server;
editing this copy changes nothing except your own understanding.
"""

import jax, jax.numpy as jnp
import numpy as np

BS, N, K = 1, 50000, 16
D_IN, D_OUT = 32, 64


def _conv_bn(x, p, act=True):
    # 1x1 Conv2d + BatchNorm2d (train-mode batch stats) + optional LeakyReLU(0.2)
    y = jnp.einsum('oc,bcnk->bonk', p['W'], x) + p['b'][None, :, None, None]
    m = y.mean(axis=(0, 2, 3), keepdims=True)
    v = y.var(axis=(0, 2, 3), keepdims=True)
    y = (y - m) / jnp.sqrt(v + 1e-5)
    y = p['g'][None, :, None, None] * y + p['be'][None, :, None, None]
    if act:
        y = jnp.where(y >= 0, y, 0.2 * y)
    return y


def _gather_neighbour(feature, neigh_idx):
    # feature: [bs, c, n, 1], neigh_idx: [bs, n, k] -> [bs, c, n, k]
    bs, c, n, _ = feature.shape
    k = neigh_idx.shape[2]
    feat = feature[..., 0]
    idx = neigh_idx.reshape(bs, 1, n * k)
    g = jnp.take_along_axis(feat, idx, axis=2)
    return g.reshape(bs, c, n, k)


def _rel_pos(xyz, neigh_idx):
    nxyz = _gather_neighbour(xyz, neigh_idx)
    tile = jnp.broadcast_to(xyz, (xyz.shape[0], 3, xyz.shape[2], neigh_idx.shape[2]))
    rel = tile - nxyz
    dis = jnp.sqrt(jnp.sum(rel ** 2, axis=1, keepdims=True))
    return jnp.concatenate([dis, rel, tile, nxyz], axis=1)


def _att_pool(feature, p):
    att = jnp.einsum('oc,bcnk->bonk', p['fc_W'], feature) + p['fc_b'][None, :, None, None]
    scores = jax.nn.softmax(att, axis=3)
    agg = jnp.sum(feature * scores, axis=3, keepdims=True)
    return _conv_bn(agg, p['mlp'], act=True)


def _forward(feature, xyz, neigh_idx, params):
    f_pc = _conv_bn(feature, params['mlp1'])
    f_xyz = _rel_pos(xyz, neigh_idx)
    f_xyz1 = _conv_bn(f_xyz, params['lfa_mlp1'])
    f_nb = _gather_neighbour(f_pc, neigh_idx)
    f_cat = jnp.concatenate([f_nb, f_xyz1], axis=1)
    f_agg = _att_pool(f_cat, params['ap1'])
    f_xyz2 = _conv_bn(f_xyz1, params['lfa_mlp2'])
    f_nb = _gather_neighbour(f_agg, neigh_idx)
    f_cat = jnp.concatenate([f_nb, f_xyz2], axis=1)
    f_pc2 = _att_pool(f_cat, params['ap2'])
    f_pc2 = _conv_bn(f_pc2, params['mlp2'], act=False)
    sc = _conv_bn(feature, params['shortcut'], act=False)
    y = f_pc2 + sc
    return jnp.where(y >= 0, y, 0.2 * y)


def _cb(key, o, i):
    return {'W': jax.random.normal(key, (o, i), jnp.float32) * 0.05,
            'b': jnp.zeros((o,), jnp.float32),
            'g': jnp.ones((o,), jnp.float32),
            'be': jnp.zeros((o,), jnp.float32)}


def setup_inputs(seed: int = 0) -> dict:
    key = jax.random.key(seed)
    ks = jax.random.split(key, 12)
    d2 = D_OUT // 2
    feature = jax.random.normal(ks[0], (BS, D_IN, N, 1), jnp.float32)
    xyz = jax.random.normal(ks[1], (BS, 3, N, 1), jnp.float32)
    neigh_idx = jax.random.randint(ks[2], (BS, N, K), 0, N, dtype=jnp.int32)
    params = {
        'mlp1': _cb(ks[3], d2, D_IN),
        'lfa_mlp1': _cb(ks[4], d2, 10),
        'ap1': {'fc_W': jax.random.normal(ks[5], (D_OUT, D_OUT), jnp.float32) * 0.05,
                'fc_b': jnp.zeros((D_OUT,), jnp.float32),
                'mlp': _cb(ks[6], d2, D_OUT)},
        'lfa_mlp2': _cb(ks[7], d2, d2),
        'ap2': {'fc_W': jax.random.normal(ks[8], (D_OUT, D_OUT), jnp.float32) * 0.05,
                'fc_b': jnp.zeros((D_OUT,), jnp.float32),
                'mlp': _cb(ks[9], D_OUT, D_OUT)},
        'mlp2': _cb(ks[10], 2 * D_OUT, D_OUT),
        'shortcut': _cb(ks[11], 2 * D_OUT, D_IN),
    }
    return {'feature': feature, 'xyz': xyz, 'neigh_idx': neigh_idx, 'params': params}


def reference(feature, xyz, neigh_idx, params):
    return _forward(feature, xyz, neigh_idx, params)

if __name__ == "__main__":
    import jax
    _d = setup_inputs()
    print(jax.jit(kernel)(*tuple(_d.values())))

</pallas_src>

<mosaic_0001>
#map = affine_map<(d0, d1) -> (0, 0)>
#map1 = affine_map<(d0, d1) -> (0)>
module attributes {stable_mosaic.version = 14 : i64} {
  func.func @k(%arg0: i32, %arg1: i32, %arg2: memref<50000x32xf32, #tpu.memory_space<hbm>>, %arg3: memref<800000xi32, #tpu.memory_space<hbm>>, %arg4: memref<800000x32xf32, #tpu.memory_space<hbm>>, %arg5: memref<2x1000xi32, #tpu.memory_space<vmem>>, %arg6: memref<2x1000x32xf32, #tpu.memory_space<vmem>>, %arg7: memref<2x!tpu.dma_semaphore, #tpu.memory_space<semaphore_mem>>, %arg8: memref<!tpu.dma_semaphore, #tpu.memory_space<semaphore_mem>>) attributes {dimension_semantics = [#tpu.dimension_semantics<core_parallel>, #tpu.dimension_semantics<subcore_parallel>], iteration_bounds = array<i64: 2, 16>, scalar_prefetch = 0 : i64, scratch_operands = 4 : i64, tpu.core_type = #tpu.core_type<sc_vector_subcore>, window_params = [{transform_indices = #map}, {transform_indices = #map1}, {transform_indices = #map}]} {
    %mul3A = arith.constant 2 : i32
    %mul3A_0 = arith.muli %arg1, %mul3A : i32
    %add3A = arith.addi %mul3A_0, %arg0 : i32
    %mul3A_1 = arith.constant 25000 : i32
    %mul3A_2 = arith.muli %add3A, %mul3A_1 : i32
    %add3A_3 = arith.constant 0 : i32
    %add3A_4 = arith.addi %mul3A_2, %add3A_3 : i32
    %dma_start3A = arith.constant 0 : i32
    %dma_start3A_5 = arith.constant 0 : i32
    %dma_start3A_6 = arith.constant 0 : i32
    %dma_start3A_7 = tpu.memref_slice %arg5[%dma_start3A, %dma_start3A_6] : memref<2x1000xi32, #tpu.memory_space<vmem>> -> memref<1x1000xi32, #tpu.memory_space<vmem>>
    %dma_start3A_8 = tpu.memref_squeeze %dma_start3A_7 : memref<1x1000xi32, #tpu.memory_space<vmem>> -> memref<1000xi32, #tpu.memory_space<vmem>>
    %dma_start3A_9 = tpu.memref_slice %arg3[%add3A_4] : memref<800000xi32, #tpu.memory_space<hbm>> -> memref<1000xi32, #tpu.memory_space<hbm>>
    %dma_start3A_10 = tpu.memref_slice %arg7[%dma_start3A_5] : memref<2x!tpu.dma_semaphore, #tpu.memory_space<semaphore_mem>> -> memref<1x!tpu.dma_semaphore, #tpu.memory_space<semaphore_mem>>
    %dma_start3A_11 = tpu.memref_squeeze %dma_start3A_10 : memref<1x!tpu.dma_semaphore, #tpu.memory_space<semaphore_mem>> -> memref<!tpu.dma_semaphore, #tpu.memory_space<semaphore_mem>>
    %dma_start3A_12 = arith.constant 0 : i32
    %dma_start3A_13 = tpu.memref_slice %arg5[%dma_start3A, %dma_start3A_12] : memref<2x1000xi32, #tpu.memory_space<vmem>> -> memref<1x1000xi32, #tpu.memory_space<vmem>>
    %dma_start3A_14 = tpu.memref_squeeze %dma_start3A_13 : memref<1x1000xi32, #tpu.memory_space<vmem>> -> memref<1000xi32, #tpu.memory_space<vmem>>
    %dma_start3A_15 = tpu.memref_slice %arg3[%add3A_4] : memref<800000xi32, #tpu.memory_space<hbm>> -> memref<1000xi32, #tpu.memory_space<hbm>>
    tpu.enqueue_dma source(%dma_start3A_15 : memref<1000xi32, #tpu.memory_space<hbm>>) target(%dma_start3A_14 : memref<1000xi32, #tpu.memory_space<vmem>>) target_semaphore(%dma_start3A_11 : memref<!tpu.dma_semaphore, #tpu.memory_space<semaphore_mem>>)
    %dma_wait3A = arith.constant 0 : i32
    %dma_wait3A_16 = arith.constant 0 : i32
    %dma_wait3A_17 = arith.constant 0 : i32
    %dma_wait3A_18 = tpu.memref_slice %arg5[%dma_wait3A, %dma_wait3A_17] : memref<2x1000xi32, #tpu.memory_space<vmem>> -> memref<1x1000xi32, #tpu.memory_space<vmem>>
    %dma_wait3A_19 = tpu.memref_squeeze %dma_wait3A_18 : memref<1x1000xi32, #tpu.memory_space<vmem>> -> memref<1000xi32, #tpu.memory_space<vmem>>
    %dma_wait3A_20 = tpu.memref_slice %arg3[%add3A_4] : memref<800000xi32, #tpu.memory_space<hbm>> -> memref<1000xi32, #tpu.memory_space<hbm>>
    %dma_wait3A_21 = tpu.memref_slice %arg7[%dma_wait3A_16] : memref<2x!tpu.dma_semaphore, #tpu.memory_space<semaphore_mem>> -> memref<1x!tpu.dma_semaphore, #tpu.memory_space<semaphore_mem>>
    %dma_wait3A_22 = tpu.memref_squeeze %dma_wait3A_21 : memref<1x!tpu.dma_semaphore, #tpu.memory_space<semaphore_mem>> -> memref<!tpu.dma_semaphore, #tpu.memory_space<semaphore_mem>>
    %dma_wait3A_23 = arith.constant 0 : i32
    %dma_wait3A_24 = tpu.memref_slice %arg5[%dma_wait3A, %dma_wait3A_23] : memref<2x1000xi32, #tpu.memory_space<vmem>> -> memref<1x1000xi32, #tpu.memory_space<vmem>>
    %dma_wait3A_25 = tpu.memref_squeeze %dma_wait3A_24 : memref<1x1000xi32, #tpu.memory_space<vmem>> -> memref<1000xi32, #tpu.memory_space<vmem>>
    %dma_wait3A_26 = tpu.memref_slice %arg3[%add3A_4] : memref<800000xi32, #tpu.memory_space<hbm>> -> memref<1000xi32, #tpu.memory_space<hbm>>
    tpu.wait_dma2 semaphore(%dma_wait3A_22 : memref<!tpu.dma_semaphore, #tpu.memory_space<semaphore_mem>>) src(%dma_wait3A_26 : memref<1000xi32, #tpu.memory_space<hbm>>) dst(%dma_wait3A_25 : memref<1000xi32, #tpu.memory_space<vmem>>)
    %dma_start3A_27 = arith.constant 0 : i32
    %dma_start3A_28 = arith.constant 0 : i32
    %dma_start3A_29 = arith.constant 0 : i32
    %dma_start3A_30 = arith.constant 0 : i32
    %dma_start3A_31 = arith.constant 0 : i32
    %dma_start3A_32 = tpu.memref_slice %arg6[%dma_start3A_28, %dma_start3A_30, %dma_start3A_31] : memref<2x1000x32xf32, #tpu.memory_space<vmem>> -> memref<1x1000x32xf32, #tpu.memory_space<vmem>>
    %dma_start3A_33 = tpu.memref_squeeze %dma_start3A_32 : memref<1x1000x32xf32, #tpu.memory_space<vmem>> -> memref<1000x32xf32, #tpu.memory_space<vmem>>
    %dma_start3A_34 = arith.constant 0 : i32
    %dma_start3A_35 = tpu.memref_slice %arg5[%dma_start3A_27, %dma_start3A_34] : memref<2x1000xi32, #tpu.memory_space<vmem>> -> memref<1x1000xi32, #tpu.memory_space<vmem>>
    %dma_start3A_36 = tpu.memref_squeeze %dma_start3A_35 : memref<1x1000xi32, #tpu.memory_space<vmem>> -> memref<1000xi32, #tpu.memory_space<vmem>>
    %dma_start3A_37 = arith.constant 0 : i32
    %dma_start3A_38 = arith.constant 0 : i32
    %dma_start3A_39 = tpu.memref_slice %arg2[%dma_start3A_37, %dma_start3A_38] : memref<50000x32xf32, #tpu.memory_space<hbm>> -> memref<50000x32xf32, #tpu.memory_space<hbm>>
    %dma_start3A_40 = tpu.memref_slice %arg7[%dma_start3A_29] : memref<2x!tpu.dma_semaphore, #tpu.memory_space<semaphore_mem>> -> memref<1x!tpu.dma_semaphore, #tpu.memory_space<semaphore_mem>>
    %dma_start3A_41 = tpu.memref_squeeze %dma_start3A_40 : memref<1x!tpu.dma_semaphore, #tpu.memory_space<semaphore_mem>> -> memref<!tpu.dma_semaphore, #tpu.memory_space<semaphore_mem>>
    tpu.enqueue_indirect_dma source(%dma_start3A_39 : memref<50000x32xf32, #tpu.memory_space<hbm>>) target(%dma_start3A_33 : memref<1000x32xf32, #tpu.memory_space<vmem>>) offsets(%dma_start3A_36 : memref<1000xi32, #tpu.memory_space<vmem>>) semaphore(%dma_start3A_41 : memref<!tpu.dma_semaphore, #tpu.memory_space<semaphore_mem>>)
    %scan3A = arith.constant 0 : i32
    %scan3A_42 = arith.constant 0 : i32
    %scan3A_43 = arith.constant 25 : i32
    %scan3A_44 = arith.addi %scan3A_42, %scan3A_43 : i32
    %scan3A_45 = arith.constant 1 : i32
    scf.for %scan3A_63 = %scan3A_42 to %scan3A_44 step %scan3A_45  : i32 {
      %rem3A_64 = arith.constant 2 : i32
      %rem3A_65 = arith.remsi %scan3A_63, %rem3A_64 : i32
      %ge3A = arith.constant 1 : i32
      %ge3A_66 = arith.cmpi sge, %scan3A_63, %ge3A : i32
      %convert_element_type3A = arith.extui %ge3A_66 : i1 to i32
      %cond3A = arith.constant 0 : i32
      %cond3A_67 = arith.cmpi ne, %convert_element_type3A, %cond3A : i32
      scf.if %cond3A_67 {
        %sub3A = arith.constant 1 : i32
        %sub3A_101 = arith.subi %sub3A, %rem3A_65 : i32
        %sub3A_102 = arith.constant 1 : i32
        %sub3A_103 = arith.subi %scan3A_63, %sub3A_102 : i32
        %mul3A_104 = arith.constant 1000 : i32
        %mul3A_105 = arith.muli %sub3A_103, %mul3A_104 : i32
        %add3A_106 = arith.addi %mul3A_2, %mul3A_105 : i32
        %dma_wait3A_107 = arith.constant 0 : i32
        %dma_wait3A_108 = arith.constant 0 : i32
        %dma_wait3A_109 = tpu.memref_slice %arg6[%sub3A_101, %dma_wait3A_107, %dma_wait3A_108] : memref<2x1000x32xf32, #tpu.memory_space<vmem>> -> memref<1x1000x32xf32, #tpu.memory_space<vmem>>
        %dma_wait3A_110 = tpu.memref_squeeze %dma_wait3A_109 : memref<1x1000x32xf32, #tpu.memory_space<vmem>> -> memref<1000x32xf32, #tpu.memory_space<vmem>>
        %dma_wait3A_111 = arith.constant 0 : i32
        %dma_wait3A_112 = tpu.memref_slice %arg4[%add3A_106, %dma_wait3A_111] : memref<800000x32xf32, #tpu.memory_space<hbm>> -> memref<1000x32xf32, #tpu.memory_space<hbm>>
        %dma_wait3A_113 = arith.constant 0 : i32
        %dma_wait3A_114 = tpu.memref_slice %arg4[%add3A_106, %dma_wait3A_113] : memref<800000x32xf32, #tpu.memory_space<hbm>> -> memref<1000x32xf32, #tpu.memory_space<hbm>>
        %dma_wait3A_115 = arith.constant 0 : i32
        %dma_wait3A_116 = arith.constant 0 : i32
        %dma_wait3A_117 = tpu.memref_slice %arg6[%sub3A_101, %dma_wait3A_115, %dma_wait3A_116] : memref<2x1000x32xf32, #tpu.memory_space<vmem>> -> memref<1x1000x32xf32, #tpu.memory_space<vmem>>
        %dma_wait3A_118 = tpu.memref_squeeze %dma_wait3A_117 : memref<1x1000x32xf32, #tpu.memory_space<vmem>> -> memref<1000x32xf32, #tpu.memory_space<vmem>>
        tpu.wait_dma2 semaphore(%arg8 : memref<!tpu.dma_semaphore, #tpu.memory_space<semaphore_mem>>) src(%dma_wait3A_118 : memref<1000x32xf32, #tpu.memory_space<vmem>>) dst(%dma_wait3A_114 : memref<1000x32xf32, #tpu.memory_space<hbm>>)
      } else {
      }
      %add3A_68 = arith.constant 1 : i32
      %add3A_69 = arith.addi %scan3A_63, %add3A_68 : i32
      %lt3A = arith.constant 25 : i32
      %lt3A_70 = arith.cmpi slt, %add3A_69, %lt3A : i32
      %convert_element_type3A_71 = arith.extui %lt3A_70 : i1 to i32
      %cond3A_72 = arith.constant 0 : i32
      %cond3A_73 = arith.cmpi ne, %convert_element_type3A_71, %cond3A_72 : i32
      scf.if %cond3A_73 {
        %add3A_101 = arith.constant 1 : i32
        %add3A_102 = arith.addi %scan3A_63, %add3A_101 : i32
        %sub3A = arith.constant 1 : i32
        %sub3A_103 = arith.subi %sub3A, %rem3A_65 : i32
        %mul3A_104 = arith.constant 1000 : i32
        %mul3A_105 = arith.muli %add3A_102, %mul3A_104 : i32
        %add3A_106 = arith.addi %mul3A_2, %mul3A_105 : i32
        %dma_start3A_107 = arith.constant 0 : i32
        %dma_start3A_108 = tpu.memref_slice %arg5[%sub3A_103, %dma_start3A_107] : memref<2x1000xi32, #tpu.memory_space<vmem>> -> memref<1x1000xi32, #tpu.memory_space<vmem>>
        %dma_start3A_109 = tpu.memref_squeeze %dma_start3A_108 : memref<1x1000xi32, #tpu.memory_space<vmem>> -> memref<1000xi32, #tpu.memory_space<vmem>>
        %dma_start3A_110 = tpu.memref_slice %arg3[%add3A_106] : memref<800000xi32, #tpu.memory_space<hbm>> -> memref<1000xi32, #tpu.memory_space<hbm>>
        %dma_start3A_111 = tpu.memref_slice %arg7[%sub3A_103] : memref<2x!tpu.dma_semaphore, #tpu.memory_space<semaphore_mem>> -> memref<1x!tpu.dma_semaphore, #tpu.memory_space<semaphore_mem>>
        %dma_start3A_112 = tpu.memref_squeeze %dma_start3A_111 : memref<1x!tpu.dma_semaphore, #tpu.memory_space<semaphore_mem>> -> memref<!tpu.dma_semaphore, #tpu.memory_space<semaphore_mem>>
        %dma_start3A_113 = arith.constant 0 : i32
        %dma_start3A_114 = tpu.memref_slice %arg5[%sub3A_103, %dma_start3A_113] : memref<2x1000xi32, #tpu.memory_space<vmem>> -> memref<1x1000xi32, #tpu.memory_space<vmem>>
        %dma_start3A_115 = tpu.memref_squeeze %dma_start3A_114 : memref<1x1000xi32, #tpu.memory_space<vmem>> -> memref<1000xi32, #tpu.memory_space<vmem>>
        %dma_start3A_116 = tpu.memref_slice %arg3[%add3A_106] : memref<800000xi32, #tpu.memory_space<hbm>> -> memref<1000xi32, #tpu.memory_space<hbm>>
        tpu.enqueue_dma source(%dma_start3A_116 : memref<1000xi32, #tpu.memory_space<hbm>>) target(%dma_start3A_115 : memref<1000xi32, #tpu.memory_space<vmem>>) target_semaphore(%dma_start3A_112 : memref<!tpu.dma_semaphore, #tpu.memory_space<semaphore_mem>>)
        %dma_wait3A_117 = arith.constant 0 : i32
        %dma_wait3A_118 = tpu.memref_slice %arg5[%sub3A_103, %dma_wait3A_117] : memref<2x1000xi32, #tpu.memory_space<vmem>> -> memref<1x1000xi32, #tpu.memory_space<vmem>>
        %dma_wait3A_119 = tpu.memref_squeeze %dma_wait3A_118 : memref<1x1000xi32, #tpu.memory_space<vmem>> -> memref<1000xi32, #tpu.memory_space<vmem>>
        %dma_wait3A_120 = tpu.memref_slice %arg3[%add3A_106] : memref<800000xi32, #tpu.memory_space<hbm>> -> memref<1000xi32, #tpu.memory_space<hbm>>
        %dma_wait3A_121 = tpu.memref_slice %arg7[%sub3A_103] : memref<2x!tpu.dma_semaphore, #tpu.memory_space<semaphore_mem>> -> memref<1x!tpu.dma_semaphore, #tpu.memory_space<semaphore_mem>>
        %dma_wait3A_122 = tpu.memref_squeeze %dma_wait3A_121 : memref<1x!tpu.dma_semaphore, #tpu.memory_space<semaphore_mem>> -> memref<!tpu.dma_semaphore, #tpu.memory_space<semaphore_mem>>
        %dma_wait3A_123 = arith.constant 0 : i32
        %dma_wait3A_124 = tpu.memref_slice %arg5[%sub3A_103, %dma_wait3A_123] : memref<2x1000xi32, #tpu.memory_space<vmem>> -> memref<1x1000xi32, #tpu.memory_space<vmem>>
        %dma_wait3A_125 = tpu.memref_squeeze %dma_wait3A_124 : memref<1x1000xi32, #tpu.memory_space<vmem>> -> memref<1000xi32, #tpu.memory_space<vmem>>
        %dma_wait3A_126 = tpu.memref_slice %arg3[%add3A_106] : memref<800000xi32, #tpu.memory_space<hbm>> -> memref<1000xi32, #tpu.memory_space<hbm>>
        tpu.wait_dma2 semaphore(%dma_wait3A_122 : memref<!tpu.dma_semaphore, #tpu.memory_space<semaphore_mem>>) src(%dma_wait3A_126 : memref<1000xi32, #tpu.memory_space<hbm>>) dst(%dma_wait3A_125 : memref<1000xi32, #tpu.memory_space<vmem>>)
        %dma_start3A_127 = arith.constant 0 : i32
        %dma_start3A_128 = arith.constant 0 : i32
        %dma_start3A_129 = tpu.memref_slice %arg6[%sub3A_103, %dma_start3A_127, %dma_start3A_128] : memref<2x1000x32xf32, #tpu.memory_space<vmem>> -> memref<1x1000x32xf32, #tpu.memory_space<vmem>>
        %dma_start3A_130 = tpu.memref_squeeze %dma_start3A_129 : memref<1x1000x32xf32, #tpu.memory_space<vmem>> -> memref<1000x32xf32, #tpu.memory_space<vmem>>
        %dma_start3A_131 = arith.constant 0 : i32
        %dma_start3A_132 = tpu.memref_slice %arg5[%sub3A_103, %dma_start3A_131] : memref<2x1000xi32, #tpu.memory_space<vmem>> -> memref<1x1000xi32, #tpu.memory_space<vmem>>
        %dma_start3A_133 = tpu.memref_squeeze %dma_start3A_132 : memref<1x1000xi32, #tpu.memory_space<vmem>> -> memref<1000xi32, #tpu.memory_space<vmem>>
        %dma_start3A_134 = arith.constant 0 : i32
        %dma_start3A_135 = arith.constant 0 : i32
        %dma_start3A_136 = tpu.memref_slice %arg2[%dma_start3A_134, %dma_start3A_135] : memref<50000x32xf32, #tpu.memory_space<hbm>> -> memref<50000x32xf32, #tpu.memory_space<hbm>>
        %dma_start3A_137 = tpu.memref_slice %arg7[%sub3A_103] : memref<2x!tpu.dma_semaphore, #tpu.memory_space<semaphore_mem>> -> memref<1x!tpu.dma_semaphore, #tpu.memory_space<semaphore_mem>>
        %dma_start3A_138 = tpu.memref_squeeze %dma_start3A_137 : memref<1x!tpu.dma_semaphore, #tpu.memory_space<semaphore_mem>> -> memref<!tpu.dma_semaphore, #tpu.memory_space<semaphore_mem>>
        tpu.enqueue_indirect_dma source(%dma_start3A_136 : memref<50000x32xf32, #tpu.memory_space<hbm>>) target(%dma_start3A_130 : memref<1000x32xf32, #tpu.memory_space<vmem>>) offsets(%dma_start3A_133 : memref<1000xi32, #tpu.memory_space<vmem>>) semaphore(%dma_start3A_138 : memref<!tpu.dma_semaphore, #tpu.memory_space<semaphore_mem>>)
      } else {
      }
      %dma_wait3A_74 = arith.constant 0 : i32
      %dma_wait3A_75 = arith.constant 0 : i32
      %dma_wait3A_76 = tpu.memref_slice %arg6[%rem3A_65, %dma_wait3A_74, %dma_wait3A_75] : memref<2x1000x32xf32, #tpu.memory_space<vmem>> -> memref<1x1000x32xf32, #tpu.memory_space<vmem>>
      %dma_wait3A_77 = tpu.memref_squeeze %dma_wait3A_76 : memref<1x1000x32xf32, #tpu.memory_space<vmem>> -> memref<1000x32xf32, #tpu.memory_space<vmem>>
      %dma_wait3A_78 = arith.constant 0 : i32
      %dma_wait3A_79 = tpu.memref_slice %arg5[%rem3A_65, %dma_wait3A_78] : memref<2x1000xi32, #tpu.memory_space<vmem>> -> memref<1x1000xi32, #tpu.memory_space<vmem>>
      %dma_wait3A_80 = tpu.memref_squeeze %dma_wait3A_79 : memref<1x1000xi32, #tpu.memory_space<vmem>> -> memref<1000xi32, #tpu.memory_space<vmem>>
      %dma_wait3A_81 = arith.constant 0 : i32
      %dma_wait3A_82 = arith.constant 0 : i32
      %dma_wait3A_83 = tpu.memref_slice %arg2[%dma_wait3A_81, %dma_wait3A_82] : memref<50000x32xf32, #tpu.memory_space<hbm>> -> memref<50000x32xf32, #tpu.memory_space<hbm>>
      %dma_wait3A_84 = tpu.memref_slice %arg7[%rem3A_65] : memref<2x!tpu.dma_semaphore, #tpu.memory_space<semaphore_mem>> -> memref<1x!tpu.dma_semaphore, #tpu.memory_space<semaphore_mem>>
      %dma_wait3A_85 = tpu.memref_squeeze %dma_wait3A_84 : memref<1x!tpu.dma_semaphore, #tpu.memory_space<semaphore_mem>> -> memref<!tpu.dma_semaphore, #tpu.memory_space<semaphore_mem>>
      tpu.wait_indirect_dma semaphore(%dma_wait3A_85 : memref<!tpu.dma_semaphore, #tpu.memory_space<semaphore_mem>>) src(%dma_wait3A_83 : memref<50000x32xf32, #tpu.memory_space<hbm>>) dst(%dma_wait3A_77 : memref<1000x32xf32, #tpu.memory_space<vmem>>)
      %mul3A_86 = arith.constant 1000 : i32
      %mul3A_87 = arith.muli %scan3A_63, %mul3A_86 : i32
      %add3A_88 = arith.addi %mul3A_2, %mul3A_87 : i32
      %dma_start3A_89 = arith.constant 0 : i32
      %dma_start3A_90 = arith.constant 0 : i32
      %dma_start3A_91 = tpu.memref_slice %arg6[%rem3A_65, %dma_start3A_89, %dma_start3A_90] : memref<2x1000x32xf32, #tpu.memory_space<vmem>> -> memref<1x1000x32xf32, #tpu.memory_space<vmem>>
      %dma_start3A_92 = tpu.memref_squeeze %dma_start3A_91 : memref<1x1000x32xf32, #tpu.memory_space<vmem>> -> memref<1000x32xf32, #tpu.memory_space<vmem>>
      %dma_start3A_93 = arith.constant 0 : i32
      %dma_start3A_94 = tpu.memref_slice %arg4[%add3A_88, %dma_start3A_93] : memref<800000x32xf32, #tpu.memory_space<hbm>> -> memref<1000x32xf32, #tpu.memory_space<hbm>>
      %dma_start3A_95 = arith.constant 0 : i32
      %dma_start3A_96 = tpu.memref_slice %arg4[%add3A_88, %dma_start3A_95] : memref<800000x32xf32, #tpu.memory_space<hbm>> -> memref<1000x32xf32, #tpu.memory_space<hbm>>
      %dma_start3A_97 = arith.constant 0 : i32
      %dma_start3A_98 = arith.constant 0 : i32
      %dma_start3A_99 = tpu.memref_slice %arg6[%rem3A_65, %dma_start3A_97, %dma_start3A_98] : memref<2x1000x32xf32, #tpu.memory_space<vmem>> -> memref<1x1000x32xf32, #tpu.memory_space<vmem>>
      %dma_start3A_100 = tpu.memref_squeeze %dma_start3A_99 : memref<1x1000x32xf32, #tpu.memory_space<vmem>> -> memref<1000x32xf32, #tpu.memory_space<vmem>>
      tpu.enqueue_dma source(%dma_start3A_100 : memref<1000x32xf32, #tpu.memory_space<vmem>>) target(%dma_start3A_96 : memref<1000x32xf32, #tpu.memory_space<hbm>>) target_semaphore(%arg8 : memref<!tpu.dma_semaphore, #tpu.memory_space<semaphore_mem>>)
    }
    %scan3A_46 = arith.constant 25 : i32
    %rem3A = arith.constant 24 : i32
    %rem3A_47 = arith.constant 2 : i32
    %rem3A_48 = arith.remsi %rem3A, %rem3A_47 : i32
    %add3A_49 = arith.constant 24000 : i32
    %add3A_50 = arith.addi %mul3A_2, %add3A_49 : i32
    %dma_wait3A_51 = arith.constant 0 : i32
    %dma_wait3A_52 = arith.constant 0 : i32
    %dma_wait3A_53 = tpu.memref_slice %arg6[%rem3A_48, %dma_wait3A_51, %dma_wait3A_52] : memref<2x1000x32xf32, #tpu.memory_space<vmem>> -> memref<1x1000x32xf32, #tpu.memory_space<vmem>>
    %dma_wait3A_54 = tpu.memref_squeeze %dma_wait3A_53 : memref<1x1000x32xf32, #tpu.memory_space<vmem>> -> memref<1000x32xf32, #tpu.memory_space<vmem>>
    %dma_wait3A_55 = arith.constant 0 : i32
    %dma_wait3A_56 = tpu.memref_slice %arg4[%add3A_50, %dma_wait3A_55] : memref<800000x32xf32, #tpu.memory_space<hbm>> -> memref<1000x32xf32, #tpu.memory_space<hbm>>
    %dma_wait3A_57 = arith.constant 0 : i32
    %dma_wait3A_58 = tpu.memref_slice %arg4[%add3A_50, %dma_wait3A_57] : memref<800000x32xf32, #tpu.memory_space<hbm>> -> memref<1000x32xf32, #tpu.memory_space<hbm>>
    %dma_wait3A_59 = arith.constant 0 : i32
    %dma_wait3A_60 = arith.constant 0 : i32
    %dma_wait3A_61 = tpu.memref_slice %arg6[%rem3A_48, %dma_wait3A_59, %dma_wait3A_60] : memref<2x1000x32xf32, #tpu.memory_space<vmem>> -> memref<1x1000x32xf32, #tpu.memory_space<vmem>>
    %dma_wait3A_62 = tpu.memref_squeeze %dma_wait3A_61 : memref<1x1000x32xf32, #tpu.memory_space<vmem>> -> memref<1000x32xf32, #tpu.memory_space<vmem>>
    tpu.wait_dma2 semaphore(%arg8 : memref<!tpu.dma_semaphore, #tpu.memory_space<semaphore_mem>>) src(%dma_wait3A_62 : memref<1000x32xf32, #tpu.memory_space<vmem>>) dst(%dma_wait3A_58 : memref<1000x32xf32, #tpu.memory_space<hbm>>)
    return
  }
}

#map = affine_map<(d0, d1) -> (0, 0)>
#map1 = affine_map<(d0, d1) -> (0)>
module attributes {stable_mosaic.version = 14 : i64} {
  func.func @k(%arg0: i32, %arg1: i32, %arg2: memref<50000x32xf32, #tpu.memory_space<hbm>>, %arg3: memref<800000xi32, #tpu.memory_space<hbm>>, %arg4: memref<800000x32xf32, #tpu.memory_space<hbm>>, %arg5: memref<2x1000xi32, #tpu.memory_space<vmem>>, %arg6: memref<2x1000x32xf32, #tpu.memory_space<vmem>>, %arg7: memref<2x!tpu.dma_semaphore, #tpu.memory_space<semaphore_mem>>, %arg8: memref<!tpu.dma_semaphore, #tpu.memory_space<semaphore_mem>>) attributes {dimension_semantics = [#tpu.dimension_semantics<core_parallel>, #tpu.dimension_semantics<subcore_parallel>], iteration_bounds = array<i64: 2, 16>, scalar_prefetch = 0 : i64, scratch_operands = 4 : i64, tpu.core_type = #tpu.core_type<sc_vector_subcore>, window_params = [{transform_indices = #map}, {transform_indices = #map1}, {transform_indices = #map}]} {
    %mul3A = arith.constant 2 : i32
    %mul3A_0 = arith.muli %arg1, %mul3A : i32
    %add3A = arith.addi %mul3A_0, %arg0 : i32
    %mul3A_1 = arith.constant 25000 : i32
    %mul3A_2 = arith.muli %add3A, %mul3A_1 : i32
    %add3A_3 = arith.constant 0 : i32
    %add3A_4 = arith.addi %mul3A_2, %add3A_3 : i32
    %dma_start3A = arith.constant 0 : i32
    %dma_start3A_5 = arith.constant 0 : i32
    %dma_start3A_6 = arith.constant 0 : i32
    %dma_start3A_7 = tpu.memref_slice %arg5[%dma_start3A, %dma_start3A_6] : memref<2x1000xi32, #tpu.memory_space<vmem>> -> memref<1x1000xi32, #tpu.memory_space<vmem>>
    %dma_start3A_8 = tpu.memref_squeeze %dma_start3A_7 : memref<1x1000xi32, #tpu.memory_space<vmem>> -> memref<1000xi32, #tpu.memory_space<vmem>>
    %dma_start3A_9 = tpu.memref_slice %arg3[%add3A_4] : memref<800000xi32, #tpu.memory_space<hbm>> -> memref<1000xi32, #tpu.memory_space<hbm>>
    %dma_start3A_10 = tpu.memref_slice %arg7[%dma_start3A_5] : memref<2x!tpu.dma_semaphore, #tpu.memory_space<semaphore_mem>> -> memref<1x!tpu.dma_semaphore, #tpu.memory_space<semaphore_mem>>
    %dma_start3A_11 = tpu.memref_squeeze %dma_start3A_10 : memref<1x!tpu.dma_semaphore, #tpu.memory_space<semaphore_mem>> -> memref<!tpu.dma_semaphore, #tpu.memory_space<semaphore_mem>>
    %dma_start3A_12 = arith.constant 0 : i32
    %dma_start3A_13 = tpu.memref_slice %arg5[%dma_start3A, %dma_start3A_12] : memref<2x1000xi32, #tpu.memory_space<vmem>> -> memref<1x1000xi32, #tpu.memory_space<vmem>>
    %dma_start3A_14 = tpu.memref_squeeze %dma_start3A_13 : memref<1x1000xi32, #tpu.memory_space<vmem>> -> memref<1000xi32, #tpu.memory_space<vmem>>
    %dma_start3A_15 = tpu.memref_slice %arg3[%add3A_4] : memref<800000xi32, #tpu.memory_space<hbm>> -> memref<1000xi32, #tpu.memory_space<hbm>>
    tpu.enqueue_dma source(%dma_start3A_15 : memref<1000xi32, #tpu.memory_space<hbm>>) target(%dma_start3A_14 : memref<1000xi32, #tpu.memory_space<vmem>>) target_semaphore(%dma_start3A_11 : memref<!tpu.dma_semaphore, #tpu.memory_space<semaphore_mem>>)
    %dma_wait3A = arith.constant 0 : i32
    %dma_wait3A_16 = arith.constant 0 : i32
    %dma_wait3A_17 = arith.constant 0 : i32
    %dma_wait3A_18 = tpu.memref_slice %arg5[%dma_wait3A, %dma_wait3A_17] : memref<2x1000xi32, #tpu.memory_space<vmem>> -> memref<1x1000xi32, #tpu.memory_space<vmem>>
    %dma_wait3A_19 = tpu.memref_squeeze %dma_wait3A_18 : memref<1x1000xi32, #tpu.memory_space<vmem>> -> memref<1000xi32, #tpu.memory_space<vmem>>
    %dma_wait3A_20 = tpu.memref_slice %arg3[%add3A_4] : memref<800000xi32, #tpu.memory_space<hbm>> -> memref<1000xi32, #tpu.memory_space<hbm>>
    %dma_wait3A_21 = tpu.memref_slice %arg7[%dma_wait3A_16] : memref<2x!tpu.dma_semaphore, #tpu.memory_space<semaphore_mem>> -> memref<1x!tpu.dma_semaphore, #tpu.memory_space<semaphore_mem>>
    %dma_wait3A_22 = tpu.memref_squeeze %dma_wait3A_21 : memref<1x!tpu.dma_semaphore, #tpu.memory_space<semaphore_mem>> -> memref<!tpu.dma_semaphore, #tpu.memory_space<semaphore_mem>>
    %dma_wait3A_23 = arith.constant 0 : i32
    %dma_wait3A_24 = tpu.memref_slice %arg5[%dma_wait3A, %dma_wait3A_23] : memref<2x1000xi32, #tpu.memory_space<vmem>> -> memref<1x1000xi32, #tpu.memory_space<vmem>>
    %dma_wait3A_25 = tpu.memref_squeeze %dma_wait3A_24 : memref<1x1000xi32, #tpu.memory_space<vmem>> -> memref<1000xi32, #tpu.memory_space<vmem>>
    %dma_wait3A_26 = tpu.memref_slice %arg3[%add3A_4] : memref<800000xi32, #tpu.memory_space<hbm>> -> memref<1000xi32, #tpu.memory_space<hbm>>
    tpu.wait_dma2 semaphore(%dma_wait3A_22 : memref<!tpu.dma_semaphore, #tpu.memory_space<semaphore_mem>>) src(%dma_wait3A_26 : memref<1000xi32, #tpu.memory_space<hbm>>) dst(%dma_wait3A_25 : memref<1000xi32, #tpu.memory_space<vmem>>)
    %dma_start3A_27 = arith.constant 0 : i32
    %dma_start3A_28 = arith.constant 0 : i32
    %dma_start3A_29 = arith.constant 0 : i32
    %dma_start3A_30 = arith.constant 0 : i32
    %dma_start3A_31 = arith.constant 0 : i32
    %dma_start3A_32 = tpu.memref_slice %arg6[%dma_start3A_28, %dma_start3A_30, %dma_start3A_31] : memref<2x1000x32xf32, #tpu.memory_space<vmem>> -> memref<1x1000x32xf32, #tpu.memory_space<vmem>>
    %dma_start3A_33 = tpu.memref_squeeze %dma_start3A_32 : memref<1x1000x32xf32, #tpu.memory_space<vmem>> -> memref<1000x32xf32, #tpu.memory_space<vmem>>
    %dma_start3A_34 = arith.constant 0 : i32
    %dma_start3A_35 = tpu.memref_slice %arg5[%dma_start3A_27, %dma_start3A_34] : memref<2x1000xi32, #tpu.memory_space<vmem>> -> memref<1x1000xi32, #tpu.memory_space<vmem>>
    %dma_start3A_36 = tpu.memref_squeeze %dma_start3A_35 : memref<1x1000xi32, #tpu.memory_space<vmem>> -> memref<1000xi32, #tpu.memory_space<vmem>>
    %dma_start3A_37 = arith.constant 0 : i32
    %dma_start3A_38 = arith.constant 0 : i32
    %dma_start3A_39 = tpu.memref_slice %arg2[%dma_start3A_37, %dma_start3A_38] : memref<50000x32xf32, #tpu.memory_space<hbm>> -> memref<50000x32xf32, #tpu.memory_space<hbm>>
    %dma_start3A_40 = tpu.memref_slice %arg7[%dma_start3A_29] : memref<2x!tpu.dma_semaphore, #tpu.memory_space<semaphore_mem>> -> memref<1x!tpu.dma_semaphore, #tpu.memory_space<semaphore_mem>>
    %dma_start3A_41 = tpu.memref_squeeze %dma_start3A_40 : memref<1x!tpu.dma_semaphore, #tpu.memory_space<semaphore_mem>> -> memref<!tpu.dma_semaphore, #tpu.memory_space<semaphore_mem>>
    tpu.enqueue_indirect_dma source(%dma_start3A_39 : memref<50000x32xf32, #tpu.memory_space<hbm>>) target(%dma_start3A_33 : memref<1000x32xf32, #tpu.memory_space<vmem>>) offsets(%dma_start3A_36 : memref<1000xi32, #tpu.memory_space<vmem>>) semaphore(%dma_start3A_41 : memref<!tpu.dma_semaphore, #tpu.memory_space<semaphore_mem>>)
    %scan3A = arith.constant 0 : i32
    %scan3A_42 = arith.constant 0 : i32
    %scan3A_43 = arith.constant 25 : i32
    %scan3A_44 = arith.addi %scan3A_42, %scan3A_43 : i32
    %scan3A_45 = arith.constant 1 : i32
    scf.for %scan3A_63 = %scan3A_42 to %scan3A_44 step %scan3A_45  : i32 {
      %rem3A_64 = arith.constant 2 : i32
      %rem3A_65 = arith.remsi %scan3A_63, %rem3A_64 : i32
      %ge3A = arith.constant 1 : i32
      %ge3A_66 = arith.cmpi sge, %scan3A_63, %ge3A : i32
      %convert_element_type3A = arith.extui %ge3A_66 : i1 to i32
      %cond3A = arith.constant 0 : i32
      %cond3A_67 = arith.cmpi ne, %convert_element_type3A, %cond3A : i32
      scf.if %cond3A_67 {
        %sub3A = arith.constant 1 : i32
        %sub3A_101 = arith.subi %sub3A, %rem3A_65 : i32
        %sub3A_102 = arith.constant 1 : i32
        %sub3A_103 = arith.subi %scan3A_63, %sub3A_102 : i32
        %mul3A_104 = arith.constant 1000 : i32
        %mul3A_105 = arith.muli %sub3A_103, %mul3A_104 : i32
        %add3A_106 = arith.addi %mul3A_2, %mul3A_105 : i32
        %dma_wait3A_107 = arith.constant 0 : i32
        %dma_wait3A_108 = arith.constant 0 : i32
        %dma_wait3A_109 = tpu.memref_slice %arg6[%sub3A_101, %dma_wait3A_107, %dma_wait3A_108] : memref<2x1000x32xf32, #tpu.memory_space<vmem>> -> memref<1x1000x32xf32, #tpu.memory_space<vmem>>
        %dma_wait3A_110 = tpu.memref_squeeze %dma_wait3A_109 : memref<1x1000x32xf32, #tpu.memory_space<vmem>> -> memref<1000x32xf32, #tpu.memory_space<vmem>>
        %dma_wait3A_111 = arith.constant 0 : i32
        %dma_wait3A_112 = tpu.memref_slice %arg4[%add3A_106, %dma_wait3A_111] : memref<800000x32xf32, #tpu.memory_space<hbm>> -> memref<1000x32xf32, #tpu.memory_space<hbm>>
        %dma_wait3A_113 = arith.constant 0 : i32
        %dma_wait3A_114 = tpu.memref_slice %arg4[%add3A_106, %dma_wait3A_113] : memref<800000x32xf32, #tpu.memory_space<hbm>> -> memref<1000x32xf32, #tpu.memory_space<hbm>>
        %dma_wait3A_115 = arith.constant 0 : i32
        %dma_wait3A_116 = arith.constant 0 : i32
        %dma_wait3A_117 = tpu.memref_slice %arg6[%sub3A_101, %dma_wait3A_115, %dma_wait3A_116] : memref<2x1000x32xf32, #tpu.memory_space<vmem>> -> memref<1x1000x32xf32, #tpu.memory_space<vmem>>
        %dma_wait3A_118 = tpu.memref_squeeze %dma_wait3A_117 : memref<1x1000x32xf32, #tpu.memory_space<vmem>> -> memref<1000x32xf32, #tpu.memory_space<vmem>>
        tpu.wait_dma2 semaphore(%arg8 : memref<!tpu.dma_semaphore, #tpu.memory_space<semaphore_mem>>) src(%dma_wait3A_118 : memref<1000x32xf32, #tpu.memory_space<vmem>>) dst(%dma_wait3A_114 : memref<1000x32xf32, #tpu.memory_space<hbm>>)
      } else {
      }
      %add3A_68 = arith.constant 1 : i32
      %add3A_69 = arith.addi %scan3A_63, %add3A_68 : i32
      %lt3A = arith.constant 25 : i32
      %lt3A_70 = arith.cmpi slt, %add3A_69, %lt3A : i32
      %convert_element_type3A_71 = arith.extui %lt3A_70 : i1 to i32
      %cond3A_72 = arith.constant 0 : i32
      %cond3A_73 = arith.cmpi ne, %convert_element_type3A_71, %cond3A_72 : i32
      scf.if %cond3A_73 {
        %add3A_101 = arith.constant 1 : i32
        %add3A_102 = arith.addi %scan3A_63, %add3A_101 : i32
        %sub3A = arith.constant 1 : i32
        %sub3A_103 = arith.subi %sub3A, %rem3A_65 : i32
        %mul3A_104 = arith.constant 1000 : i32
        %mul3A_105 = arith.muli %add3A_102, %mul3A_104 : i32
        %add3A_106 = arith.addi %mul3A_2, %mul3A_105 : i32
        %dma_start3A_107 = arith.constant 0 : i32
        %dma_start3A_108 = tpu.memref_slice %arg5[%sub3A_103, %dma_start3A_107] : memref<2x1000xi32, #tpu.memory_space<vmem>> -> memref<1x1000xi32, #tpu.memory_space<vmem>>
        %dma_start3A_109 = tpu.memref_squeeze %dma_start3A_108 : memref<1x1000xi32, #tpu.memory_space<vmem>> -> memref<1000xi32, #tpu.memory_space<vmem>>
        %dma_start3A_110 = tpu.memref_slice %arg3[%add3A_106] : memref<800000xi32, #tpu.memory_space<hbm>> -> memref<1000xi32, #tpu.memory_space<hbm>>
        %dma_start3A_111 = tpu.memref_slice %arg7[%sub3A_103] : memref<2x!tpu.dma_semaphore, #tpu.memory_space<semaphore_mem>> -> memref<1x!tpu.dma_semaphore, #tpu.memory_space<semaphore_mem>>
        %dma_start3A_112 = tpu.memref_squeeze %dma_start3A_111 : memref<1x!tpu.dma_semaphore, #tpu.memory_space<semaphore_mem>> -> memref<!tpu.dma_semaphore, #tpu.memory_space<semaphore_mem>>
        %dma_start3A_113 = arith.constant 0 : i32
        %dma_start3A_114 = tpu.memref_slice %arg5[%sub3A_103, %dma_start3A_113] : memref<2x1000xi32, #tpu.memory_space<vmem>> -> memref<1x1000xi32, #tpu.memory_space<vmem>>
        %dma_start3A_115 = tpu.memref_squeeze %dma_start3A_114 : memref<1x1000xi32, #tpu.memory_space<vmem>> -> memref<1000xi32, #tpu.memory_space<vmem>>
        %dma_start3A_116 = tpu.memref_slice %arg3[%add3A_106] : memref<800000xi32, #tpu.memory_space<hbm>> -> memref<1000xi32, #tpu.memory_space<hbm>>
        tpu.enqueue_dma source(%dma_start3A_116 : memref<1000xi32, #tpu.memory_space<hbm>>) target(%dma_start3A_115 : memref<1000xi32, #tpu.memory_space<vmem>>) target_semaphore(%dma_start3A_112 : memref<!tpu.dma_semaphore, #tpu.memory_space<semaphore_mem>>)
        %dma_wait3A_117 = arith.constant 0 : i32
        %dma_wait3A_118 = tpu.memref_slice %arg5[%sub3A_103, %dma_wait3A_117] : memref<2x1000xi32, #tpu.memory_space<vmem>> -> memref<1x1000xi32, #tpu.memory_space<vmem>>
        %dma_wait3A_119 = tpu.memref_squeeze %dma_wait3A_118 : memref<1x1000xi32, #tpu.memory_space<vmem>> -> memref<1000xi32, #tpu.memory_space<vmem>>
        %dma_wait3A_120 = tpu.memref_slice %arg3[%add3A_106] : memref<800000xi32, #tpu.memory_space<hbm>> -> memref<1000xi32, #tpu.memory_space<hbm>>
        %dma_wait3A_121 = tpu.memref_slice %arg7[%sub3A_103] : memref<2x!tpu.dma_semaphore, #tpu.memory_space<semaphore_mem>> -> memref<1x!tpu.dma_semaphore, #tpu.memory_space<semaphore_mem>>
        %dma_wait3A_122 = tpu.memref_squeeze %dma_wait3A_121 : memref<1x!tpu.dma_semaphore, #tpu.memory_space<semaphore_mem>> -> memref<!tpu.dma_semaphore, #tpu.memory_space<semaphore_mem>>
        %dma_wait3A_123 = arith.constant 0 : i32
        %dma_wait3A_124 = tpu.memref_slice %arg5[%sub3A_103, %dma_wait3A_123] : memref<2x1000xi32, #tpu.memory_space<vmem>> -> memref<1x1000xi32, #tpu.memory_space<vmem>>
        %dma_wait3A_125 = tpu.memref_squeeze %dma_wait3A_124 : memref<1x1000xi32, #tpu.memory_space<vmem>> -> memref<1000xi32, #tpu.memory_space<vmem>>
        %dma_wait3A_126 = tpu.memref_slice %arg3[%add3A_106] : memref<800000xi32, #tpu.memory_space<hbm>> -> memref<1000xi32, #tpu.memory_space<hbm>>
        tpu.wait_dma2 semaphore(%dma_wait3A_122 : memref<!tpu.dma_semaphore, #tpu.memory_space<semaphore_mem>>) src(%dma_wait3A_126 : memref<1000xi32, #tpu.memory_space<hbm>>) dst(%dma_wait3A_125 : memref<1000xi32, #tpu.memory_space<vmem>>)
        %dma_start3A_127 = arith.constant 0 : i32
        %dma_start3A_128 = arith.constant 0 : i32
        %dma_start3A_129 = tpu.memref_slice %arg6[%sub3A_103, %dma_start3A_127, %dma_start3A_128] : memref<2x1000x32xf32, #tpu.memory_space<vmem>> -> memref<1x1000x32xf32, #tpu.memory_space<vmem>>
        %dma_start3A_130 = tpu.memref_squeeze %dma_start3A_129 : memref<1x1000x32xf32, #tpu.memory_space<vmem>> -> memref<1000x32xf32, #tpu.memory_space<vmem>>
        %dma_start3A_131 = arith.constant 0 : i32
        %dma_start3A_132 = tpu.memref_slice %arg5[%sub3A_103, %dma_start3A_131] : memref<2x1000xi32, #tpu.memory_space<vmem>> -> memref<1x1000xi32, #tpu.memory_space<vmem>>
        %dma_start3A_133 = tpu.memref_squeeze %dma_start3A_132 : memref<1x1000xi32, #tpu.memory_space<vmem>> -> memref<1000xi32, #tpu.memory_space<vmem>>
        %dma_start3A_134 = arith.constant 0 : i32
        %dma_start3A_135 = arith.constant 0 : i32
        %dma_start3A_136 = tpu.memref_slice %arg2[%dma_start3A_134, %dma_start3A_135] : memref<50000x32xf32, #tpu.memory_space<hbm>> -> memref<50000x32xf32, #tpu.memory_space<hbm>>
        %dma_start3A_137 = tpu.memref_slice %arg7[%sub3A_103] : memref<2x!tpu.dma_semaphore, #tpu.memory_space<semaphore_mem>> -> memref<1x!tpu.dma_semaphore, #tpu.memory_space<semaphore_mem>>
        %dma_start3A_138 = tpu.memref_squeeze %dma_start3A_137 : memref<1x!tpu.dma_semaphore, #tpu.memory_space<semaphore_mem>> -> memref<!tpu.dma_semaphore, #tpu.memory_space<semaphore_mem>>
        tpu.enqueue_indirect_dma source(%dma_start3A_136 : memref<50000x32xf32, #tpu.memory_space<hbm>>) target(%dma_start3A_130 : memref<1000x32xf32, #tpu.memory_space<vmem>>) offsets(%dma_start3A_133 : memref<1000xi32, #tpu.memory_space<vmem>>) semaphore(%dma_start3A_138 : memref<!tpu.dma_semaphore, #tpu.memory_space<semaphore_mem>>)
      } else {
      }
      %dma_wait3A_74 = arith.constant 0 : i32
      %dma_wait3A_75 = arith.constant 0 : i32
      %dma_wait3A_76 = tpu.memref_slice %arg6[%rem3A_65, %dma_wait3A_74, %dma_wait3A_75] : memref<2x1000x32xf32, #tpu.memory_space<vmem>> -> memref<1x1000x32xf32, #tpu.memory_space<vmem>>
      %dma_wait3A_77 = tpu.memref_squeeze %dma_wait3A_76 : memref<1x1000x32xf32, #tpu.memory_space<vmem>> -> memref<1000x32xf32, #tpu.memory_space<vmem>>
      %dma_wait3A_78 = arith.constant 0 : i32
      %dma_wait3A_79 = tpu.memref_slice %arg5[%rem3A_65, %dma_wait3A_78] : memref<2x1000xi32, #tpu.memory_space<vmem>> -> memref<1x1000xi32, #tpu.memory_space<vmem>>
      %dma_wait3A_80 = tpu.memref_squeeze %dma_wait3A_79 : memref<1x1000xi32, #tpu.memory_space<vmem>> -> memref<1000xi32, #tpu.memory_space<vmem>>
      %dma_wait3A_81 = arith.constant 0 : i32
      %dma_wait3A_82 = arith.constant 0 : i32
      %dma_wait3A_83 = tpu.memref_slice %arg2[%dma_wait3A_81, %dma_wait3A_82] : memref<50000x32xf32, #tpu.memory_space<hbm>> -> memref<50000x32xf32, #tpu.memory_space<hbm>>
      %dma_wait3A_84 = tpu.memref_slice %arg7[%rem3A_65] : memref<2x!tpu.dma_semaphore, #tpu.memory_space<semaphore_mem>> -> memref<1x!tpu.dma_semaphore, #tpu.memory_space<semaphore_mem>>
      %dma_wait3A_85 = tpu.memref_squeeze %dma_wait3A_84 : memref<1x!tpu.dma_semaphore, #tpu.memory_space<semaphore_mem>> -> memref<!tpu.dma_semaphore, #tpu.memory_space<semaphore_mem>>
      tpu.wait_indirect_dma semaphore(%dma_wait3A_85 : memref<!tpu.dma_semaphore, #tpu.memory_space<semaphore_mem>>) src(%dma_wait3A_83 : memref<50000x32xf32, #tpu.memory_space<hbm>>) dst(%dma_wait3A_77 : memref<1000x32xf32, #tpu.memory_space<vmem>>)
      %mul3A_86 = arith.constant 1000 : i32
      %mul3A_87 = arith.muli %scan3A_63, %mul3A_86 : i32
      %add3A_88 = arith.addi %mul3A_2, %mul3A_87 : i32
      %dma_start3A_89 = arith.constant 0 : i32
      %dma_start3A_90 = arith.constant 0 : i32
      %dma_start3A_91 = tpu.memref_slice %arg6[%rem3A_65, %dma_start3A_89, %dma_start3A_90] : memref<2x1000x32xf32, #tpu.memory_space<vmem>> -> memref<1x1000x32xf32, #tpu.memory_space<vmem>>
      %dma_start3A_92 = tpu.memref_squeeze %dma_start3A_91 : memref<1x1000x32xf32, #tpu.memory_space<vmem>> -> memref<1000x32xf32, #tpu.memory_space<vmem>>
      %dma_start3A_93 = arith.constant 0 : i32
      %dma_start3A_94 = tpu.memref_slice %arg4[%add3A_88, %dma_start3A_93] : memref<800000x32xf32, #tpu.memory_space<hbm>> -> memref<1000x32xf32, #tpu.memory_space<hbm>>
      %dma_start3A_95 = arith.constant 0 : i32
      %dma_start3A_96 = tpu.memref_slice %arg4[%add3A_88, %dma_start3A_95] : memref<800000x32xf32, #tpu.memory_space<hbm>> -> memref<1000x32xf32, #tpu.memory_space<hbm>>
      %dma_start3A_97 = arith.constant 0 : i32
      %dma_start3A_98 = arith.constant 0 : i32
      %dma_start3A_99 = tpu.memref_slice %arg6[%rem3A_65, %dma_start3A_97, %dma_start3A_98] : memref<2x1000x32xf32, #tpu.memory_space<vmem>> -> memref<1x1000x32xf32, #tpu.memory_space<vmem>>
      %dma_start3A_100 = tpu.memref_squeeze %dma_start3A_99 : memref<1x1000x32xf32, #tpu.memory_space<vmem>> -> memref<1000x32xf32, #tpu.memory_space<vmem>>
      tpu.enqueue_dma source(%dma_start3A_100 : memref<1000x32xf32, #tpu.memory_space<vmem>>) target(%dma_start3A_96 : memref<1000x32xf32, #tpu.memory_space<hbm>>) target_semaphore(%arg8 : memref<!tpu.dma_semaphore, #tpu.memory_space<semaphore_mem>>)
    }
    %scan3A_46 = arith.constant 25 : i32
    %rem3A = arith.constant 24 : i32
    %rem3A_47 = arith.constant 2 : i32
    %rem3A_48 = arith.remsi %rem3A, %rem3A_47 : i32
    %add3A_49 = arith.constant 24000 : i32
    %add3A_50 = arith.addi %mul3A_2, %add3A_49 : i32
    %dma_wait3A_51 = arith.constant 0 : i32
    %dma_wait3A_52 = arith.constant 0 : i32
    %dma_wait3A_53 = tpu.memref_slice %arg6[%rem3A_48, %dma_wait3A_51, %dma_wait3A_52] : memref<2x1000x32xf32, #tpu.memory_space<vmem>> -> memref<1x1000x32xf32, #tpu.memory_space<vmem>>
    %dma_wait3A_54 = tpu.memref_squeeze %dma_wait3A_53 : memref<1x1000x32xf32, #tpu.memory_space<vmem>> -> memref<1000x32xf32, #tpu.memory_space<vmem>>
    %dma_wait3A_55 = arith.constant 0 : i32
    %dma_wait3A_56 = tpu.memref_slice %arg4[%add3A_50, %dma_wait3A_55] : memref<800000x32xf32, #tpu.memory_space<hbm>> -> memref<1000x32xf32, #tpu.memory_space<hbm>>
    %dma_wait3A_57 = arith.constant 0 : i32
    %dma_wait3A_58 = tpu.memref_slice %arg4[%add3A_50, %dma_wait3A_57] : memref<800000x32xf32, #tpu.memory_space<hbm>> -> memref<1000x32xf32, #tpu.memory_space<hbm>>
    %dma_wait3A_59 = arith.constant 0 : i32
    %dma_wait3A_60 = arith.constant 0 : i32
    %dma_wait3A_61 = tpu.memref_slice %arg6[%rem3A_48, %dma_wait3A_59, %dma_wait3A_60] : memref<2x1000x32xf32, #tpu.memory_space<vmem>> -> memref<1x1000x32xf32, #tpu.memory_space<vmem>>
    %dma_wait3A_62 = tpu.memref_squeeze %dma_wait3A_61 : memref<1x1000x32xf32, #tpu.memory_space<vmem>> -> memref<1000x32xf32, #tpu.memory_space<vmem>>
    tpu.wait_dma2 semaphore(%arg8 : memref<!tpu.dma_semaphore, #tpu.memory_space<semaphore_mem>>) src(%dma_wait3A_62 : memref<1000x32xf32, #tpu.memory_space<vmem>>) dst(%dma_wait3A_58 : memref<1000x32xf32, #tpu.memory_space<hbm>>)
    return
  }
}

#map = affine_map<(d0, d1) -> (0, 0)>
#map1 = affine_map<(d0, d1) -> (0)>
module attributes {stable_mosaic.version = 14 : i64} {
  func.func @k(%arg0: i32, %arg1: i32, %arg2: memref<50000x16xf32, #tpu.memory_space<hbm>>, %arg3: memref<800000xi32, #tpu.memory_space<hbm>>, %arg4: memref<800000x16xf32, #tpu.memory_space<hbm>>, %arg5: memref<2x1000xi32, #tpu.memory_space<vmem>>, %arg6: memref<2x1000x16xf32, #tpu.memory_space<vmem>>, %arg7: memref<2x!tpu.dma_semaphore, #tpu.memory_space<semaphore_mem>>, %arg8: memref<!tpu.dma_semaphore, #tpu.memory_space<semaphore_mem>>) attributes {dimension_semantics = [#tpu.dimension_semantics<core_parallel>, #tpu.dimension_semantics<subcore_parallel>], iteration_bounds = array<i64: 2, 16>, scalar_prefetch = 0 : i64, scratch_operands = 4 : i64, tpu.core_type = #tpu.core_type<sc_vector_subcore>, window_params = [{transform_indices = #map}, {transform_indices = #map1}, {transform_indices = #map}]} {
    %mul3A = arith.constant 2 : i32
    %mul3A_0 = arith.muli %arg1, %mul3A : i32
    %add3A = arith.addi %mul3A_0, %arg0 : i32
    %mul3A_1 = arith.constant 25000 : i32
    %mul3A_2 = arith.muli %add3A, %mul3A_1 : i32
    %add3A_3 = arith.constant 0 : i32
    %add3A_4 = arith.addi %mul3A_2, %add3A_3 : i32
    %dma_start3A = arith.constant 0 : i32
    %dma_start3A_5 = arith.constant 0 : i32
    %dma_start3A_6 = arith.constant 0 : i32
    %dma_start3A_7 = tpu.memref_slice %arg5[%dma_start3A, %dma_start3A_6] : memref<2x1000xi32, #tpu.memory_space<vmem>> -> memref<1x1000xi32, #tpu.memory_space<vmem>>
    %dma_start3A_8 = tpu.memref_squeeze %dma_start3A_7 : memref<1x1000xi32, #tpu.memory_space<vmem>> -> memref<1000xi32, #tpu.memory_space<vmem>>
    %dma_start3A_9 = tpu.memref_slice %arg3[%add3A_4] : memref<800000xi32, #tpu.memory_space<hbm>> -> memref<1000xi32, #tpu.memory_space<hbm>>
    %dma_start3A_10 = tpu.memref_slice %arg7[%dma_start3A_5] : memref<2x!tpu.dma_semaphore, #tpu.memory_space<semaphore_mem>> -> memref<1x!tpu.dma_semaphore, #tpu.memory_space<semaphore_mem>>
    %dma_start3A_11 = tpu.memref_squeeze %dma_start3A_10 : memref<1x!tpu.dma_semaphore, #tpu.memory_space<semaphore_mem>> -> memref<!tpu.dma_semaphore, #tpu.memory_space<semaphore_mem>>
    %dma_start3A_12 = arith.constant 0 : i32
    %dma_start3A_13 = tpu.memref_slice %arg5[%dma_start3A, %dma_start3A_12] : memref<2x1000xi32, #tpu.memory_space<vmem>> -> memref<1x1000xi32, #tpu.memory_space<vmem>>
    %dma_start3A_14 = tpu.memref_squeeze %dma_start3A_13 : memref<1x1000xi32, #tpu.memory_space<vmem>> -> memref<1000xi32, #tpu.memory_space<vmem>>
    %dma_start3A_15 = tpu.memref_slice %arg3[%add3A_4] : memref<800000xi32, #tpu.memory_space<hbm>> -> memref<1000xi32, #tpu.memory_space<hbm>>
    tpu.enqueue_dma source(%dma_start3A_15 : memref<1000xi32, #tpu.memory_space<hbm>>) target(%dma_start3A_14 : memref<1000xi32, #tpu.memory_space<vmem>>) target_semaphore(%dma_start3A_11 : memref<!tpu.dma_semaphore, #tpu.memory_space<semaphore_mem>>)
    %dma_wait3A = arith.constant 0 : i32
    %dma_wait3A_16 = arith.constant 0 : i32
    %dma_wait3A_17 = arith.constant 0 : i32
    %dma_wait3A_18 = tpu.memref_slice %arg5[%dma_wait3A, %dma_wait3A_17] : memref<2x1000xi32, #tpu.memory_space<vmem>> -> memref<1x1000xi32, #tpu.memory_space<vmem>>
    %dma_wait3A_19 = tpu.memref_squeeze %dma_wait3A_18 : memref<1x1000xi32, #tpu.memory_space<vmem>> -> memref<1000xi32, #tpu.memory_space<vmem>>
    %dma_wait3A_20 = tpu.memref_slice %arg3[%add3A_4] : memref<800000xi32, #tpu.memory_space<hbm>> -> memref<1000xi32, #tpu.memory_space<hbm>>
    %dma_wait3A_21 = tpu.memref_slice %arg7[%dma_wait3A_16] : memref<2x!tpu.dma_semaphore, #tpu.memory_space<semaphore_mem>> -> memref<1x!tpu.dma_semaphore, #tpu.memory_space<semaphore_mem>>
    %dma_wait3A_22 = tpu.memref_squeeze %dma_wait3A_21 : memref<1x!tpu.dma_semaphore, #tpu.memory_space<semaphore_mem>> -> memref<!tpu.dma_semaphore, #tpu.memory_space<semaphore_mem>>
    %dma_wait3A_23 = arith.constant 0 : i32
    %dma_wait3A_24 = tpu.memref_slice %arg5[%dma_wait3A, %dma_wait3A_23] : memref<2x1000xi32, #tpu.memory_space<vmem>> -> memref<1x1000xi32, #tpu.memory_space<vmem>>
    %dma_wait3A_25 = tpu.memref_squeeze %dma_wait3A_24 : memref<1x1000xi32, #tpu.memory_space<vmem>> -> memref<1000xi32, #tpu.memory_space<vmem>>
    %dma_wait3A_26 = tpu.memref_slice %arg3[%add3A_4] : memref<800000xi32, #tpu.memory_space<hbm>> -> memref<1000xi32, #tpu.memory_space<hbm>>
    tpu.wait_dma2 semaphore(%dma_wait3A_22 : memref<!tpu.dma_semaphore, #tpu.memory_space<semaphore_mem>>) src(%dma_wait3A_26 : memref<1000xi32, #tpu.memory_space<hbm>>) dst(%dma_wait3A_25 : memref<1000xi32, #tpu.memory_space<vmem>>)
    %dma_start3A_27 = arith.constant 0 : i32
    %dma_start3A_28 = arith.constant 0 : i32
    %dma_start3A_29 = arith.constant 0 : i32
    %dma_start3A_30 = arith.constant 0 : i32
    %dma_start3A_31 = arith.constant 0 : i32
    %dma_start3A_32 = tpu.memref_slice %arg6[%dma_start3A_28, %dma_start3A_30, %dma_start3A_31] : memref<2x1000x16xf32, #tpu.memory_space<vmem>> -> memref<1x1000x16xf32, #tpu.memory_space<vmem>>
    %dma_start3A_33 = tpu.memref_squeeze %dma_start3A_32 : memref<1x1000x16xf32, #tpu.memory_space<vmem>> -> memref<1000x16xf32, #tpu.memory_space<vmem>>
    %dma_start3A_34 = arith.constant 0 : i32
    %dma_start3A_35 = tpu.memref_slice %arg5[%dma_start3A_27, %dma_start3A_34] : memref<2x1000xi32, #tpu.memory_space<vmem>> -> memref<1x1000xi32, #tpu.memory_space<vmem>>
    %dma_start3A_36 = tpu.memref_squeeze %dma_start3A_35 : memref<1x1000xi32, #tpu.memory_space<vmem>> -> memref<1000xi32, #tpu.memory_space<vmem>>
    %dma_start3A_37 = arith.constant 0 : i32
    %dma_start3A_38 = arith.constant 0 : i32
    %dma_start3A_39 = tpu.memref_slice %arg2[%dma_start3A_37, %dma_start3A_38] : memref<50000x16xf32, #tpu.memory_space<hbm>> -> memref<50000x16xf32, #tpu.memory_space<hbm>>
    %dma_start3A_40 = tpu.memref_slice %arg7[%dma_start3A_29] : memref<2x!tpu.dma_semaphore, #tpu.memory_space<semaphore_mem>> -> memref<1x!tpu.dma_semaphore, #tpu.memory_space<semaphore_mem>>
    %dma_start3A_41 = tpu.memref_squeeze %dma_start3A_40 : memref<1x!tpu.dma_semaphore, #tpu.memory_space<semaphore_mem>> -> memref<!tpu.dma_semaphore, #tpu.memory_space<semaphore_mem>>
    tpu.enqueue_indirect_dma source(%dma_start3A_39 : memref<50000x16xf32, #tpu.memory_space<hbm>>) target(%dma_start3A_33 : memref<1000x16xf32, #tpu.memory_space<vmem>>) offsets(%dma_start3A_36 : memref<1000xi32, #tpu.memory_space<vmem>>) semaphore(%dma_start3A_41 : memref<!tpu.dma_semaphore, #tpu.memory_space<semaphore_mem>>)
    %scan3A = arith.constant 0 : i32
    %scan3A_42 = arith.constant 0 : i32
    %scan3A_43 = arith.constant 25 : i32
    %scan3A_44 = arith.addi %scan3A_42, %scan3A_43 : i32
    %scan3A_45 = arith.constant 1 : i32
    scf.for %scan3A_63 = %scan3A_42 to %scan3A_44 step %scan3A_45  : i32 {
      %rem3A_64 = arith.constant 2 : i32
      %rem3A_65 = arith.remsi %scan3A_63, %rem3A_64 : i32
      %ge3A = arith.constant 1 : i32
      %ge3A_66 = arith.cmpi sge, %scan3A_63, %ge3A : i32
      %convert_element_type3A = arith.extui %ge3A_66 : i1 to i32
      %cond3A = arith.constant 0 : i32
      %cond3A_67 = arith.cmpi ne, %convert_element_type3A, %cond3A : i32
      scf.if %cond3A_67 {
        %sub3A = arith.constant 1 : i32
        %sub3A_101 = arith.subi %sub3A, %rem3A_65 : i32
        %sub3A_102 = arith.constant 1 : i32
        %sub3A_103 = arith.subi %scan3A_63, %sub3A_102 : i32
        %mul3A_104 = arith.constant 1000 : i32
        %mul3A_105 = arith.muli %sub3A_103, %mul3A_104 : i32
        %add3A_106 = arith.addi %mul3A_2, %mul3A_105 : i32
        %dma_wait3A_107 = arith.constant 0 : i32
        %dma_wait3A_108 = arith.constant 0 : i32
        %dma_wait3A_109 = tpu.memref_slice %arg6[%sub3A_101, %dma_wait3A_107, %dma_wait3A_108] : memref<2x1000x16xf32, #tpu.memory_space<vmem>> -> memref<1x1000x16xf32, #tpu.memory_space<vmem>>
        %dma_wait3A_110 = tpu.memref_squeeze %dma_wait3A_109 : memref<1x1000x16xf32, #tpu.memory_space<vmem>> -> memref<1000x16xf32, #tpu.memory_space<vmem>>
        %dma_wait3A_111 = arith.constant 0 : i32
        %dma_wait3A_112 = tpu.memref_slice %arg4[%add3A_106, %dma_wait3A_111] : memref<800000x16xf32, #tpu.memory_space<hbm>> -> memref<1000x16xf32, #tpu.memory_space<hbm>>
        %dma_wait3A_113 = arith.constant 0 : i32
        %dma_wait3A_114 = tpu.memref_slice %arg4[%add3A_106, %dma_wait3A_113] : memref<800000x16xf32, #tpu.memory_space<hbm>> -> memref<1000x16xf32, #tpu.memory_space<hbm>>
        %dma_wait3A_115 = arith.constant 0 : i32
        %dma_wait3A_116 = arith.constant 0 : i32
        %dma_wait3A_117 = tpu.memref_slice %arg6[%sub3A_101, %dma_wait3A_115, %dma_wait3A_116] : memref<2x1000x16xf32, #tpu.memory_space<vmem>> -> memref<1x1000x16xf32, #tpu.memory_space<vmem>>
        %dma_wait3A_118 = tpu.memref_squeeze %dma_wait3A_117 : memref<1x1000x16xf32, #tpu.memory_space<vmem>> -> memref<1000x16xf32, #tpu.memory_space<vmem>>
        tpu.wait_dma2 semaphore(%arg8 : memref<!tpu.dma_semaphore, #tpu.memory_space<semaphore_mem>>) src(%dma_wait3A_118 : memref<1000x16xf32, #tpu.memory_space<vmem>>) dst(%dma_wait3A_114 : memref<1000x16xf32, #tpu.memory_space<hbm>>)
      } else {
      }
      %add3A_68 = arith.constant 1 : i32
      %add3A_69 = arith.addi %scan3A_63, %add3A_68 : i32
      %lt3A = arith.constant 25 : i32
      %lt3A_70 = arith.cmpi slt, %add3A_69, %lt3A : i32
      %convert_element_type3A_71 = arith.extui %lt3A_70 : i1 to i32
      %cond3A_72 = arith.constant 0 : i32
      %cond3A_73 = arith.cmpi ne, %convert_element_type3A_71, %cond3A_72 : i32
      scf.if %cond3A_73 {
        %add3A_101 = arith.constant 1 : i32
        %add3A_102 = arith.addi %scan3A_63, %add3A_101 : i32
        %sub3A = arith.constant 1 : i32
        %sub3A_103 = arith.subi %sub3A, %rem3A_65 : i32
        %mul3A_104 = arith.constant 1000 : i32
        %mul3A_105 = arith.muli %add3A_102, %mul3A_104 : i32
        %add3A_106 = arith.addi %mul3A_2, %mul3A_105 : i32
        %dma_start3A_107 = arith.constant 0 : i32
        %dma_start3A_108 = tpu.memref_slice %arg5[%sub3A_103, %dma_start3A_107] : memref<2x1000xi32, #tpu.memory_space<vmem>> -> memref<1x1000xi32, #tpu.memory_space<vmem>>
        %dma_start3A_109 = tpu.memref_squeeze %dma_start3A_108 : memref<1x1000xi32, #tpu.memory_space<vmem>> -> memref<1000xi32, #tpu.memory_space<vmem>>
        %dma_start3A_110 = tpu.memref_slice %arg3[%add3A_106] : memref<800000xi32, #tpu.memory_space<hbm>> -> memref<1000xi32, #tpu.memory_space<hbm>>
        %dma_start3A_111 = tpu.memref_slice %arg7[%sub3A_103] : memref<2x!tpu.dma_semaphore, #tpu.memory_space<semaphore_mem>> -> memref<1x!tpu.dma_semaphore, #tpu.memory_space<semaphore_mem>>
        %dma_start3A_112 = tpu.memref_squeeze %dma_start3A_111 : memref<1x!tpu.dma_semaphore, #tpu.memory_space<semaphore_mem>> -> memref<!tpu.dma_semaphore, #tpu.memory_space<semaphore_mem>>
        %dma_start3A_113 = arith.constant 0 : i32
        %dma_start3A_114 = tpu.memref_slice %arg5[%sub3A_103, %dma_start3A_113] : memref<2x1000xi32, #tpu.memory_space<vmem>> -> memref<1x1000xi32, #tpu.memory_space<vmem>>
        %dma_start3A_115 = tpu.memref_squeeze %dma_start3A_114 : memref<1x1000xi32, #tpu.memory_space<vmem>> -> memref<1000xi32, #tpu.memory_space<vmem>>
        %dma_start3A_116 = tpu.memref_slice %arg3[%add3A_106] : memref<800000xi32, #tpu.memory_space<hbm>> -> memref<1000xi32, #tpu.memory_space<hbm>>
        tpu.enqueue_dma source(%dma_start3A_116 : memref<1000xi32, #tpu.memory_space<hbm>>) target(%dma_start3A_115 : memref<1000xi32, #tpu.memory_space<vmem>>) target_semaphore(%dma_start3A_112 : memref<!tpu.dma_semaphore, #tpu.memory_space<semaphore_mem>>)
        %dma_wait3A_117 = arith.constant 0 : i32
        %dma_wait3A_118 = tpu.memref_slice %arg5[%sub3A_103, %dma_wait3A_117] : memref<2x1000xi32, #tpu.memory_space<vmem>> -> memref<1x1000xi32, #tpu.memory_space<vmem>>
        %dma_wait3A_119 = tpu.memref_squeeze %dma_wait3A_118 : memref<1x1000xi32, #tpu.memory_space<vmem>> -> memref<1000xi32, #tpu.memory_space<vmem>>
        %dma_wait3A_120 = tpu.memref_slice %arg3[%add3A_106] : memref<800000xi32, #tpu.memory_space<hbm>> -> memref<1000xi32, #tpu.memory_space<hbm>>
        %dma_wait3A_121 = tpu.memref_slice %arg7[%sub3A_103] : memref<2x!tpu.dma_semaphore, #tpu.memory_space<semaphore_mem>> -> memref<1x!tpu.dma_semaphore, #tpu.memory_space<semaphore_mem>>
        %dma_wait3A_122 = tpu.memref_squeeze %dma_wait3A_121 : memref<1x!tpu.dma_semaphore, #tpu.memory_space<semaphore_mem>> -> memref<!tpu.dma_semaphore, #tpu.memory_space<semaphore_mem>>
        %dma_wait3A_123 = arith.constant 0 : i32
        %dma_wait3A_124 = tpu.memref_slice %arg5[%sub3A_103, %dma_wait3A_123] : memref<2x1000xi32, #tpu.memory_space<vmem>> -> memref<1x1000xi32, #tpu.memory_space<vmem>>
        %dma_wait3A_125 = tpu.memref_squeeze %dma_wait3A_124 : memref<1x1000xi32, #tpu.memory_space<vmem>> -> memref<1000xi32, #tpu.memory_space<vmem>>
        %dma_wait3A_126 = tpu.memref_slice %arg3[%add3A_106] : memref<800000xi32, #tpu.memory_space<hbm>> -> memref<1000xi32, #tpu.memory_space<hbm>>
        tpu.wait_dma2 semaphore(%dma_wait3A_122 : memref<!tpu.dma_semaphore, #tpu.memory_space<semaphore_mem>>) src(%dma_wait3A_126 : memref<1000xi32, #tpu.memory_space<hbm>>) dst(%dma_wait3A_125 : memref<1000xi32, #tpu.memory_space<vmem>>)
        %dma_start3A_127 = arith.constant 0 : i32
        %dma_start3A_128 = arith.constant 0 : i32
        %dma_start3A_129 = tpu.memref_slice %arg6[%sub3A_103, %dma_start3A_127, %dma_start3A_128] : memref<2x1000x16xf32, #tpu.memory_space<vmem>> -> memref<1x1000x16xf32, #tpu.memory_space<vmem>>
        %dma_start3A_130 = tpu.memref_squeeze %dma_start3A_129 : memref<1x1000x16xf32, #tpu.memory_space<vmem>> -> memref<1000x16xf32, #tpu.memory_space<vmem>>
        %dma_start3A_131 = arith.constant 0 : i32
        %dma_start3A_132 = tpu.memref_slice %arg5[%sub3A_103, %dma_start3A_131] : memref<2x1000xi32, #tpu.memory_space<vmem>> -> memref<1x1000xi32, #tpu.memory_space<vmem>>
        %dma_start3A_133 = tpu.memref_squeeze %dma_start3A_132 : memref<1x1000xi32, #tpu.memory_space<vmem>> -> memref<1000xi32, #tpu.memory_space<vmem>>
        %dma_start3A_134 = arith.constant 0 : i32
        %dma_start3A_135 = arith.constant 0 : i32
        %dma_start3A_136 = tpu.memref_slice %arg2[%dma_start3A_134, %dma_start3A_135] : memref<50000x16xf32, #tpu.memory_space<hbm>> -> memref<50000x16xf32, #tpu.memory_space<hbm>>
        %dma_start3A_137 = tpu.memref_slice %arg7[%sub3A_103] : memref<2x!tpu.dma_semaphore, #tpu.memory_space<semaphore_mem>> -> memref<1x!tpu.dma_semaphore, #tpu.memory_space<semaphore_mem>>
        %dma_start3A_138 = tpu.memref_squeeze %dma_start3A_137 : memref<1x!tpu.dma_semaphore, #tpu.memory_space<semaphore_mem>> -> memref<!tpu.dma_semaphore, #tpu.memory_space<semaphore_mem>>
        tpu.enqueue_indirect_dma source(%dma_start3A_136 : memref<50000x16xf32, #tpu.memory_space<hbm>>) target(%dma_start3A_130 : memref<1000x16xf32, #tpu.memory_space<vmem>>) offsets(%dma_start3A_133 : memref<1000xi32, #tpu.memory_space<vmem>>) semaphore(%dma_start3A_138 : memref<!tpu.dma_semaphore, #tpu.memory_space<semaphore_mem>>)
      } else {
      }
      %dma_wait3A_74 = arith.constant 0 : i32
      %dma_wait3A_75 = arith.constant 0 : i32
      %dma_wait3A_76 = tpu.memref_slice %arg6[%rem3A_65, %dma_wait3A_74, %dma_wait3A_75] : memref<2x1000x16xf32, #tpu.memory_space<vmem>> -> memref<1x1000x16xf32, #tpu.memory_space<vmem>>
      %dma_wait3A_77 = tpu.memref_squeeze %dma_wait3A_76 : memref<1x1000x16xf32, #tpu.memory_space<vmem>> -> memref<1000x16xf32, #tpu.memory_space<vmem>>
      %dma_wait3A_78 = arith.constant 0 : i32
      %dma_wait3A_79 = tpu.memref_slice %arg5[%rem3A_65, %dma_wait3A_78] : memref<2x1000xi32, #tpu.memory_space<vmem>> -> memref<1x1000xi32, #tpu.memory_space<vmem>>
      %dma_wait3A_80 = tpu.memref_squeeze %dma_wait3A_79 : memref<1x1000xi32, #tpu.memory_space<vmem>> -> memref<1000xi32, #tpu.memory_space<vmem>>
      %dma_wait3A_81 = arith.constant 0 : i32
      %dma_wait3A_82 = arith.constant 0 : i32
      %dma_wait3A_83 = tpu.memref_slice %arg2[%dma_wait3A_81, %dma_wait3A_82] : memref<50000x16xf32, #tpu.memory_space<hbm>> -> memref<50000x16xf32, #tpu.memory_space<hbm>>
      %dma_wait3A_84 = tpu.memref_slice %arg7[%rem3A_65] : memref<2x!tpu.dma_semaphore, #tpu.memory_space<semaphore_mem>> -> memref<1x!tpu.dma_semaphore, #tpu.memory_space<semaphore_mem>>
      %dma_wait3A_85 = tpu.memref_squeeze %dma_wait3A_84 : memref<1x!tpu.dma_semaphore, #tpu.memory_space<semaphore_mem>> -> memref<!tpu.dma_semaphore, #tpu.memory_space<semaphore_mem>>
      tpu.wait_indirect_dma semaphore(%dma_wait3A_85 : memref<!tpu.dma_semaphore, #tpu.memory_space<semaphore_mem>>) src(%dma_wait3A_83 : memref<50000x16xf32, #tpu.memory_space<hbm>>) dst(%dma_wait3A_77 : memref<1000x16xf32, #tpu.memory_space<vmem>>)
      %mul3A_86 = arith.constant 1000 : i32
      %mul3A_87 = arith.muli %scan3A_63, %mul3A_86 : i32
      %add3A_88 = arith.addi %mul3A_2, %mul3A_87 : i32
      %dma_start3A_89 = arith.constant 0 : i32
      %dma_start3A_90 = arith.constant 0 : i32
      %dma_start3A_91 = tpu.memref_slice %arg6[%rem3A_65, %dma_start3A_89, %dma_start3A_90] : memref<2x1000x16xf32, #tpu.memory_space<vmem>> -> memref<1x1000x16xf32, #tpu.memory_space<vmem>>
      %dma_start3A_92 = tpu.memref_squeeze %dma_start3A_91 : memref<1x1000x16xf32, #tpu.memory_space<vmem>> -> memref<1000x16xf32, #tpu.memory_space<vmem>>
      %dma_start3A_93 = arith.constant 0 : i32
      %dma_start3A_94 = tpu.memref_slice %arg4[%add3A_88, %dma_start3A_93] : memref<800000x16xf32, #tpu.memory_space<hbm>> -> memref<1000x16xf32, #tpu.memory_space<hbm>>
      %dma_start3A_95 = arith.constant 0 : i32
      %dma_start3A_96 = tpu.memref_slice %arg4[%add3A_88, %dma_start3A_95] : memref<800000x16xf32, #tpu.memory_space<hbm>> -> memref<1000x16xf32, #tpu.memory_space<hbm>>
      %dma_start3A_97 = arith.constant 0 : i32
      %dma_start3A_98 = arith.constant 0 : i32
      %dma_start3A_99 = tpu.memref_slice %arg6[%rem3A_65, %dma_start3A_97, %dma_start3A_98] : memref<2x1000x16xf32, #tpu.memory_space<vmem>> -> memref<1x1000x16xf32, #tpu.memory_space<vmem>>
      %dma_start3A_100 = tpu.memref_squeeze %dma_start3A_99 : memref<1x1000x16xf32, #tpu.memory_space<vmem>> -> memref<1000x16xf32, #tpu.memory_space<vmem>>
      tpu.enqueue_dma source(%dma_start3A_100 : memref<1000x16xf32, #tpu.memory_space<vmem>>) target(%dma_start3A_96 : memref<1000x16xf32, #tpu.memory_space<hbm>>) target_semaphore(%arg8 : memref<!tpu.dma_semaphore, #tpu.memory_space<semaphore_mem>>)
    }
    %scan3A_46 = arith.constant 25 : i32
    %rem3A = arith.constant 24 : i32
    %rem3A_47 = arith.constant 2 : i32
    %rem3A_48 = arith.remsi %rem3A, %rem3A_47 : i32
    %add3A_49 = arith.constant 24000 : i32
    %add3A_50 = arith.addi %mul3A_2, %add3A_49 : i32
    %dma_wait3A_51 = arith.constant 0 : i32
    %dma_wait3A_52 = arith.constant 0 : i32
    %dma_wait3A_53 = tpu.memref_slice %arg6[%rem3A_48, %dma_wait3A_51, %dma_wait3A_52] : memref<2x1000x16xf32, #tpu.memory_space<vmem>> -> memref<1x1000x16xf32, #tpu.memory_space<vmem>>
    %dma_wait3A_54 = tpu.memref_squeeze %dma_wait3A_53 : memref<1x1000x16xf32, #tpu.memory_space<vmem>> -> memref<1000x16xf32, #tpu.memory_space<vmem>>
    %dma_wait3A_55 = arith.constant 0 : i32
    %dma_wait3A_56 = tpu.memref_slice %arg4[%add3A_50, %dma_wait3A_55] : memref<800000x16xf32, #tpu.memory_space<hbm>> -> memref<1000x16xf32, #tpu.memory_space<hbm>>
    %dma_wait3A_57 = arith.constant 0 : i32
    %dma_wait3A_58 = tpu.memref_slice %arg4[%add3A_50, %dma_wait3A_57] : memref<800000x16xf32, #tpu.memory_space<hbm>> -> memref<1000x16xf32, #tpu.memory_space<hbm>>
    %dma_wait3A_59 = arith.constant 0 : i32
    %dma_wait3A_60 = arith.constant 0 : i32
    %dma_wait3A_61 = tpu.memref_slice %arg6[%rem3A_48, %dma_wait3A_59, %dma_wait3A_60] : memref<2x1000x16xf32, #tpu.memory_space<vmem>> -> memref<1x1000x16xf32, #tpu.memory_space<vmem>>
    %dma_wait3A_62 = tpu.memref_squeeze %dma_wait3A_61 : memref<1x1000x16xf32, #tpu.memory_space<vmem>> -> memref<1000x16xf32, #tpu.memory_space<vmem>>
    tpu.wait_dma2 semaphore(%arg8 : memref<!tpu.dma_semaphore, #tpu.memory_space<semaphore_mem>>) src(%dma_wait3A_62 : memref<1000x16xf32, #tpu.memory_space<vmem>>) dst(%dma_wait3A_58 : memref<1000x16xf32, #tpu.memory_space<hbm>>)
    return
  }
}

module attributes {stable_mosaic.version = 14 : i64} {
  func.func @body(%arg0: i32, %arg1: memref<1000x32xf32, #tpu.memory_space<vmem>>, %arg2: memref<32x32xf32, #tpu.memory_space<vmem>>, %arg3: memref<32x128xf32, #tpu.memory_space<vmem>>, %arg4: memref<8x32xf32, #tpu.memory_space<vmem>>, %arg5: memref<8x128xf32, #tpu.memory_space<vmem>>) attributes {dimension_semantics = [#tpu.dimension_semantics<arbitrary>], iteration_bounds = array<i64: 50>, scalar_prefetch = 0 : i64, scratch_operands = 0 : i64, tpu.core_type = #tpu.core_type<tc>, window_params = [{transform_indices = @transform_0, window_bounds = array<i64: 1000, 32>}, {pipeline_mode = #tpu.pipeline_mode<synchronous>, transform_indices = @transform_1, window_bounds = array<i64: 32, 32>}, {pipeline_mode = #tpu.pipeline_mode<synchronous>, transform_indices = @transform_2, window_bounds = array<i64: 32, 128>}, {pipeline_mode = #tpu.pipeline_mode<synchronous>, transform_indices = @transform_3, window_bounds = array<i64: 8, 32>}, {pipeline_mode = #tpu.pipeline_mode<synchronous>, transform_indices = @transform_4, window_bounds = array<i64: 8, 128>}]} {
    %get3A = arith.constant 0 : index
    %get3A_0 = arith.constant 0 : index
    %get3A_1 = vector.load %arg1[%get3A, %get3A_0] : memref<1000x32xf32, #tpu.memory_space<vmem>>, vector<1000x32xf32>
    %get3A_2 = arith.constant 0 : index
    %get3A_3 = arith.constant 0 : index
    %get3A_4 = vector.load %arg2[%get3A_2, %get3A_3] : memref<32x32xf32, #tpu.memory_space<vmem>>, vector<32x32xf32>
    %dot_general3A = arith.constant dense<0.000000e+00> : vector<1000x32xf32>
    %dot_general3A_5 = tpu.matmul %get3A_1, %get3A_4, %dot_general3A {dimension_numbers = #tpu.dot_dimension_numbers<[1], [0], [0], [1], [0, 0, 1, 1], [], []>, transpose_lhs_hint = false} : vector<1000x32xf32>, vector<32x32xf32>, vector<1000x32xf32> -> vector<1000x32xf32>
    %get3A_6 = arith.constant 0 : index
    %get3A_7 = arith.constant 0 : index
    %get3A_8 = vector.load %arg1[%get3A_6, %get3A_7] : memref<1000x32xf32, #tpu.memory_space<vmem>>, vector<1000x32xf32>
    %get3A_9 = arith.constant 0 : index
    %get3A_10 = arith.constant 0 : index
    %get3A_11 = vector.load %arg3[%get3A_9, %get3A_10] : memref<32x128xf32, #tpu.memory_space<vmem>>, vector<32x128xf32>
    %dot_general3A_12 = arith.constant dense<0.000000e+00> : vector<1000x128xf32>
    %dot_general3A_13 = tpu.matmul %get3A_8, %get3A_11, %dot_general3A_12 {dimension_numbers = #tpu.dot_dimension_numbers<[1], [0], [0], [1], [0, 0, 1, 1], [], []>, transpose_lhs_hint = false} : vector<1000x32xf32>, vector<32x128xf32>, vector<1000x128xf32> -> vector<1000x128xf32>
    %eq3A = arith.constant 0 : i32
    %eq3A_14 = arith.cmpi eq, %arg0, %eq3A : i32
    %convert_element_type3A = arith.extui %eq3A_14 : i1 to i32
    %cond3A = arith.constant 0 : i32
    %cond3A_15 = arith.cmpi ne, %convert_element_type3A, %cond3A : i32
    scf.if %cond3A_15 {
      %broadcast_in_dim3A_53 = arith.constant 0.000000e+00 : f32
      %broadcast_in_dim3A_54 = vector.broadcast %broadcast_in_dim3A_53 : f32 to vector<8x32xf32>
      %swap3A_55 = arith.constant 0 : index
      %swap3A_56 = arith.constant 0 : index
      %swap3A_57 = vector.load %arg4[%swap3A_55, %swap3A_56] : memref<8x32xf32, #tpu.memory_space<vmem>>, vector<8x32xf32>
      tpu.vector_store %arg4[%swap3A_55, %swap3A_56], %broadcast_in_dim3A_54 {strides = array<i32>} : memref<8x32xf32, #tpu.memory_space<vmem>>, vector<8x32xf32>,
      %broadcast_in_dim3A_58 = arith.constant 0.000000e+00 : f32
      %broadcast_in_dim3A_59 = vector.broadcast %broadcast_in_dim3A_58 : f32 to vector<8x128xf32>
      %swap3A_60 = arith.constant 0 : index
      %swap3A_61 = arith.constant 0 : index
      %swap3A_62 = vector.load %arg5[%swap3A_60, %swap3A_61] : memref<8x128xf32, #tpu.memory_space<vmem>>, vector<8x128xf32>
      tpu.vector_store %arg5[%swap3A_60, %swap3A_61], %broadcast_in_dim3A_59 {strides = array<i32>} : memref<8x128xf32, #tpu.memory_space<vmem>>, vector<8x128xf32>,
    } else {
    }
    %get3A_16 = arith.constant 0 : index
    %get3A_17 = arith.constant 0 : index
    %get3A_18 = vector.load %arg4[%get3A_16, %get3A_17] : memref<8x32xf32, #tpu.memory_space<vmem>>, vector<1x32xf32>
    %reduce_sum3A = arith.constant dense<0.000000e+00> : vector<32xf32>
    %reduce_sum3A_19 = vector.multi_reduction <add>, %dot_general3A_5, %reduce_sum3A [0] : vector<1000x32xf32> to vector<32xf32>
    %broadcast_in_dim3A = vector.shape_cast %reduce_sum3A_19 : vector<32xf32> to vector<1x32xf32>
    %add3A = arith.addf %get3A_18, %broadcast_in_dim3A : vector<1x32xf32>
    %swap3A = arith.constant 0 : index
    %swap3A_20 = arith.constant 0 : index
    %swap3A_21 = vector.load %arg4[%swap3A, %swap3A_20] : memref<8x32xf32, #tpu.memory_space<vmem>>, vector<1x32xf32>
    tpu.vector_store %arg4[%swap3A, %swap3A_20], %add3A {strides = array<i32>} : memref<8x32xf32, #tpu.memory_space<vmem>>, vector<1x32xf32>,
    %get3A_22 = arith.constant 1 : index
    %get3A_23 = arith.constant 0 : index
    %get3A_24 = vector.load %arg4[%get3A_22, %get3A_23] : memref<8x32xf32, #tpu.memory_space<vmem>>, vector<1x32xf32>
    %mul3A = arith.mulf %dot_general3A_5, %dot_general3A_5 : vector<1000x32xf32>
    %reduce_sum3A_25 = arith.constant dense<0.000000e+00> : vector<32xf32>
    %reduce_sum3A_26 = vector.multi_reduction <add>, %mul3A, %reduce_sum3A_25 [0] : vector<1000x32xf32> to vector<32xf32>
    %broadcast_in_dim3A_27 = vector.shape_cast %reduce_sum3A_26 : vector<32xf32> to vector<1x32xf32>
    %add3A_28 = arith.addf %get3A_24, %broadcast_in_dim3A_27 : vector<1x32xf32>
    %swap3A_29 = arith.constant 1 : index
    %swap3A_30 = arith.constant 0 : index
    %swap3A_31 = vector.load %arg4[%swap3A_29, %swap3A_30] : memref<8x32xf32, #tpu.memory_space<vmem>>, vector<1x32xf32>
    tpu.vector_store %arg4[%swap3A_29, %swap3A_30], %add3A_28 {strides = array<i32>} : memref<8x32xf32, #tpu.memory_space<vmem>>, vector<1x32xf32>,
    %get3A_32 = arith.constant 0 : index
    %get3A_33 = arith.constant 0 : index
    %get3A_34 = vector.load %arg5[%get3A_32, %get3A_33] : memref<8x128xf32, #tpu.memory_space<vmem>>, vector<1x128xf32>
    %reduce_sum3A_35 = arith.constant dense<0.000000e+00> : vector<128xf32>
    %reduce_sum3A_36 = vector.multi_reduction <add>, %dot_general3A_13, %reduce_sum3A_35 [0] : vector<1000x128xf32> to vector<128xf32>
    %broadcast_in_dim3A_37 = vector.shape_cast %reduce_sum3A_36 : vector<128xf32> to vector<1x128xf32>
    %add3A_38 = arith.addf %get3A_34, %broadcast_in_dim3A_37 : vector<1x128xf32>
    %swap3A_39 = arith.constant 0 : index
    %swap3A_40 = arith.constant 0 : index
    %swap3A_41 = vector.load %arg5[%swap3A_39, %swap3A_40] : memref<8x128xf32, #tpu.memory_space<vmem>>, vector<1x128xf32>
    tpu.vector_store %arg5[%swap3A_39, %swap3A_40], %add3A_38 {strides = array<i32>} : memref<8x128xf32, #tpu.memory_space<vmem>>, vector<1x128xf32>,
    %get3A_42 = arith.constant 1 : index
    %get3A_43 = arith.constant 0 : index
    %get3A_44 = vector.load %arg5[%get3A_42, %get3A_43] : memref<8x128xf32, #tpu.memory_space<vmem>>, vector<1x128xf32>
    %mul3A_45 = arith.mulf %dot_general3A_13, %dot_general3A_13 : vector<1000x128xf32>
    %reduce_sum3A_46 = arith.constant dense<0.000000e+00> : vector<128xf32>
    %reduce_sum3A_47 = vector.multi_reduction <add>, %mul3A_45, %reduce_sum3A_46 [0] : vector<1000x128xf32> to vector<128xf32>
    %broadcast_in_dim3A_48 = vector.shape_cast %reduce_sum3A_47 : vector<128xf32> to vector<1x128xf32>
    %add3A_49 = arith.addf %get3A_44, %broadcast_in_dim3A_48 : vector<1x128xf32>
    %swap3A_50 = arith.constant 1 : index
    %swap3A_51 = arith.constant 0 : index
    %swap3A_52 = vector.load %arg5[%swap3A_50, %swap3A_51] : memref<8x128xf32, #tpu.memory_space<vmem>>, vector<1x128xf32>
    tpu.vector_store %arg5[%swap3A_50, %swap3A_51], %add3A_49 {strides = array<i32>} : memref<8x128xf32, #tpu.memory_space<vmem>>, vector<1x128xf32>,
    return
  }
  func.func @transform_0(%arg0: i32) -> (i32, i32) {
    %c0_i32 = arith.constant 0 : i32
    %c0_i32_0 = arith.constant 0 : i32
    return %arg0, %c0_i32 : i32, i32
  }
  func.func @transform_1(%arg0: i32) -> (i32, i32) {
    %c0_i32 = arith.constant 0 : i32
    %c0_i32_0 = arith.constant 0 : i32
    %c0_i32_1 = arith.constant 0 : i32
    return %c0_i32, %c0_i32_0 : i32, i32
  }
  func.func @transform_2(%arg0: i32) -> (i32, i32) {
    %c0_i32 = arith.constant 0 : i32
    %c0_i32_0 = arith.constant 0 : i32
    %c0_i32_1 = arith.constant 0 : i32
    return %c0_i32, %c0_i32_0 : i32, i32
  }
  func.func @transform_3(%arg0: i32) -> (i32, i32) {
    %c0_i32 = arith.constant 0 : i32
    %c0_i32_0 = arith.constant 0 : i32
    %c0_i32_1 = arith.constant 0 : i32
    return %c0_i32, %c0_i32_0 : i32, i32
  }
  func.func @transform_4(%arg0: i32) -> (i32, i32) {
    %c0_i32 = arith.constant 0 : i32
    %c0_i32_0 = arith.constant 0 : i32
    %c0_i32_1 = arith.constant 0 : i32
    return %c0_i32, %c0_i32_0 : i32, i32
  }
}

module attributes {stable_mosaic.version = 14 : i64} {
  func.func @body(%arg0: i32, %arg1: memref<1000x32xf32, #tpu.memory_space<vmem>>, %arg2: memref<32x32xf32, #tpu.memory_space<vmem>>, %arg3: memref<8x32xf32, #tpu.memory_space<vmem>>, %arg4: memref<1000x32xf32, #tpu.memory_space<vmem>>) attributes {dimension_semantics = [#tpu.dimension_semantics<arbitrary>], iteration_bounds = array<i64: 50>, scalar_prefetch = 0 : i64, scratch_operands = 0 : i64, tpu.core_type = #tpu.core_type<tc>, window_params = [{transform_indices = @transform_0, window_bounds = array<i64: 1000, 32>}, {pipeline_mode = #tpu.pipeline_mode<synchronous>, transform_indices = @transform_1, window_bounds = array<i64: 32, 32>}, {pipeline_mode = #tpu.pipeline_mode<synchronous>, transform_indices = @transform_2, window_bounds = array<i64: 8, 32>}, {transform_indices = @transform_3, window_bounds = array<i64: 1000, 32>}]} {
    %get3A = arith.constant 0 : index
    %get3A_0 = arith.constant 0 : index
    %get3A_1 = vector.load %arg1[%get3A, %get3A_0] : memref<1000x32xf32, #tpu.memory_space<vmem>>, vector<1000x32xf32>
    %get3A_2 = arith.constant 0 : index
    %get3A_3 = arith.constant 0 : index
    %get3A_4 = vector.load %arg2[%get3A_2, %get3A_3] : memref<32x32xf32, #tpu.memory_space<vmem>>, vector<32x32xf32>
    %dot_general3A = arith.constant dense<0.000000e+00> : vector<1000x32xf32>
    %dot_general3A_5 = tpu.matmul %get3A_1, %get3A_4, %dot_general3A {dimension_numbers = #tpu.dot_dimension_numbers<[1], [0], [0], [1], [0, 0, 1, 1], [], []>, transpose_lhs_hint = false} : vector<1000x32xf32>, vector<32x32xf32>, vector<1000x32xf32> -> vector<1000x32xf32>
    %get3A_6 = arith.constant 0 : index
    %get3A_7 = arith.constant 0 : index
    %get3A_8 = vector.load %arg3[%get3A_6, %get3A_7] : memref<8x32xf32, #tpu.memory_space<vmem>>, vector<1x32xf32>
    %mul3A = vector.broadcast %get3A_8 : vector<1x32xf32> to vector<1000x32xf32>
    %mul3A_9 = arith.mulf %dot_general3A_5, %mul3A : vector<1000x32xf32>
    %get3A_10 = arith.constant 1 : index
    %get3A_11 = arith.constant 0 : index
    %get3A_12 = vector.load %arg3[%get3A_10, %get3A_11] : memref<8x32xf32, #tpu.memory_space<vmem>>, vector<1x32xf32>
    %add3A = vector.broadcast %get3A_12 : vector<1x32xf32> to vector<1000x32xf32>
    %add3A_13 = arith.addf %mul3A_9, %add3A : vector<1000x32xf32>
    %ge3A = arith.constant 0.000000e+00 : f32
    %ge3A_14 = vector.broadcast %ge3A : f32 to vector<1000x32xf32>
    %ge3A_15 = arith.cmpf oge, %add3A_13, %ge3A_14 : vector<1000x32xf32>
    %mul3A_16 = arith.constant 2.000000e-01 : f32
    %mul3A_17 = vector.broadcast %mul3A_16 : f32 to vector<1000x32xf32>
    %mul3A_18 = arith.mulf %mul3A_17, %add3A_13 : vector<1000x32xf32>
    %select_n3A = arith.select %ge3A_15, %add3A_13, %mul3A_18 : vector<1000x32xi1>, vector<1000x32xf32>
    %swap3A = arith.constant 0 : index
    %swap3A_19 = arith.constant 0 : index
    %swap3A_20 = vector.load %arg4[%swap3A, %swap3A_19] : memref<1000x32xf32, #tpu.memory_space<vmem>>, vector<1000x32xf32>
    tpu.vector_store %arg4[%swap3A, %swap3A_19], %select_n3A {strides = array<i32>} : memref<1000x32xf32, #tpu.memory_space<vmem>>, vector<1000x32xf32>,
    return
  }
  func.func @transform_0(%arg0: i32) -> (i32, i32) {
    %c0_i32 = arith.constant 0 : i32
    %c0_i32_0 = arith.constant 0 : i32
    return %arg0, %c0_i32 : i32, i32
  }
  func.func @transform_1(%arg0: i32) -> (i32, i32) {
    %c0_i32 = arith.constant 0 : i32
    %c0_i32_0 = arith.constant 0 : i32
    %c0_i32_1 = arith.constant 0 : i32
    return %c0_i32, %c0_i32_0 : i32, i32
  }
  func.func @transform_2(%arg0: i32) -> (i32, i32) {
    %c0_i32 = arith.constant 0 : i32
    %c0_i32_0 = arith.constant 0 : i32
    %c0_i32_1 = arith.constant 0 : i32
    return %c0_i32, %c0_i32_0 : i32, i32
  }
  func.func @transform_3(%arg0: i32) -> (i32, i32) {
    %c0_i32 = arith.constant 0 : i32
    %c0_i32_0 = arith.constant 0 : i32
    return %arg0, %c0_i32 : i32, i32
  }
}

module attributes {stable_mosaic.version = 14 : i64} {
  func.func @body(%arg0: i32, %arg1: memref<16x400x16xf32, #tpu.memory_space<vmem>>, %arg2: memref<400x16xf32, #tpu.memory_space<vmem>>, %arg3: memref<16x32xf32, #tpu.memory_space<vmem>>, %arg4: memref<16x32xf32, #tpu.memory_space<vmem>>, %arg5: memref<16x32xf32, #tpu.memory_space<vmem>>, %arg6: memref<8x32xf32, #tpu.memory_space<vmem>>, %arg7: memref<32x32xf32, #tpu.memory_space<vmem>>) attributes {dimension_semantics = [#tpu.dimension_semantics<arbitrary>], iteration_bounds = array<i64: 125>, scalar_prefetch = 0 : i64, scratch_operands = 0 : i64, tpu.core_type = #tpu.core_type<tc>, window_params = [{transform_indices = @transform_0, window_bounds = array<i64: 16, 400, 16>}, {transform_indices = @transform_1, window_bounds = array<i64: 400, 16>}, {pipeline_mode = #tpu.pipeline_mode<synchronous>, transform_indices = @transform_2, window_bounds = array<i64: 16, 32>}, {pipeline_mode = #tpu.pipeline_mode<synchronous>, transform_indices = @transform_3, window_bounds = array<i64: 16, 32>}, {pipeline_mode = #tpu.pipeline_mode<synchronous>, transform_indices = @transform_4, window_bounds = array<i64: 16, 32>}, {pipeline_mode = #tpu.pipeline_mode<synchronous>, transform_indices = @transform_5, window_bounds = array<i64: 8, 32>}, {pipeline_mode = #tpu.pipeline_mode<synchronous>, transform_indices = @transform_6, window_bounds = array<i64: 32, 32>}]} {
    %get3A = arith.constant 0 : index
    %get3A_0 = arith.constant 0 : index
    %get3A_1 = arith.constant 0 : index
    %get3A_2 = vector.load %arg1[%get3A, %get3A_0, %get3A_1] : memref<16x400x16xf32, #tpu.memory_space<vmem>>, vector<16x400x16xf32>
    %get3A_3 = arith.constant 0 : index
    %get3A_4 = arith.constant 0 : index
    %get3A_5 = vector.load %arg2[%get3A_3, %get3A_4] : memref<400x16xf32, #tpu.memory_space<vmem>>, vector<400x16xf32>
    %broadcast_in_dim3A = vector.shape_cast %get3A_5 : vector<400x16xf32> to vector<1x400x16xf32>
    %broadcast_in_dim3A_6 = vector.shape_cast %broadcast_in_dim3A : vector<1x400x16xf32> to vector<1x400x16xf32>
    %broadcast_in_dim3A_7 = vector.broadcast %broadcast_in_dim3A_6 : vector<1x400x16xf32> to vector<16x400x16xf32>
    %sub3A = arith.subf %broadcast_in_dim3A_7, %get3A_2 : vector<16x400x16xf32>
    %reshape3A = vector.shape_cast %sub3A : vector<16x400x16xf32> to vector<6400x16xf32>
    %broadcast_in_dim3A_8 = arith.constant 1.000000e+00 : f32
    %broadcast_in_dim3A_9 = vector.broadcast %broadcast_in_dim3A_8 : f32 to vector<16x16xf32>
    %mul3A = arith.mulf %reshape3A, %reshape3A : vector<6400x16xf32>
    %dot_general3A = arith.constant dense<0.000000e+00> : vector<6400x16xf32>
    %dot_general3A_10 = tpu.matmul %mul3A, %broadcast_in_dim3A_9, %dot_general3A {dimension_numbers = #tpu.dot_dimension_numbers<[1], [0], [0], [1], [0, 0, 1, 1], [], []>, transpose_lhs_hint = false} : vector<6400x16xf32>, vector<16x16xf32>, vector<6400x16xf32> -> vector<6400x16xf32>
    %sqrt3A = math.sqrt %dot_general3A_10 : vector<6400x16xf32>
    %get3A_11 = arith.constant 0 : index
    %get3A_12 = arith.constant 0 : index
    %get3A_13 = vector.load %arg3[%get3A_11, %get3A_12] : memref<16x32xf32, #tpu.memory_space<vmem>>, vector<16x32xf32>
    %dot_general3A_14 = arith.constant dense<0.000000e+00> : vector<6400x32xf32>
    %dot_general3A_15 = tpu.matmul %sqrt3A, %get3A_13, %dot_general3A_14 {dimension_numbers = #tpu.dot_dimension_numbers<[1], [0], [0], [1], [0, 0, 1, 1], [], []>, transpose_lhs_hint = false} : vector<6400x16xf32>, vector<16x32xf32>, vector<6400x32xf32> -> vector<6400x32xf32>
    %reshape3A_16 = vector.shape_cast %broadcast_in_dim3A_7 : vector<16x400x16xf32> to vector<6400x16xf32>
    %get3A_17 = arith.constant 0 : index
    %get3A_18 = arith.constant 0 : index
    %get3A_19 = vector.load %arg4[%get3A_17, %get3A_18] : memref<16x32xf32, #tpu.memory_space<vmem>>, vector<16x32xf32>
    %dot_general3A_20 = arith.constant dense<0.000000e+00> : vector<6400x32xf32>
    %dot_general3A_21 = tpu.matmul %reshape3A_16, %get3A_19, %dot_general3A_20 {dimension_numbers = #tpu.dot_dimension_numbers<[1], [0], [0], [1], [0, 0, 1, 1], [], []>, transpose_lhs_hint = false} : vector<6400x16xf32>, vector<16x32xf32>, vector<6400x32xf32> -> vector<6400x32xf32>
    %add3A = arith.addf %dot_general3A_15, %dot_general3A_21 : vector<6400x32xf32>
    %reshape3A_22 = vector.shape_cast %get3A_2 : vector<16x400x16xf32> to vector<6400x16xf32>
    %get3A_23 = arith.constant 0 : index
    %get3A_24 = arith.constant 0 : index
    %get3A_25 = vector.load %arg5[%get3A_23, %get3A_24] : memref<16x32xf32, #tpu.memory_space<vmem>>, vector<16x32xf32>
    %dot_general3A_26 = arith.constant dense<0.000000e+00> : vector<6400x32xf32>
    %dot_general3A_27 = tpu.matmul %reshape3A_22, %get3A_25, %dot_general3A_26 {dimension_numbers = #tpu.dot_dimension_numbers<[1], [0], [0], [1], [0, 0, 1, 1], [], []>, transpose_lhs_hint = false} : vector<6400x16xf32>, vector<16x32xf32>, vector<6400x32xf32> -> vector<6400x32xf32>
    %add3A_28 = arith.addf %add3A, %dot_general3A_27 : vector<6400x32xf32>
    %eq3A = arith.constant 0 : i32
    %eq3A_29 = arith.cmpi eq, %arg0, %eq3A : i32
    %convert_element_type3A = arith.extui %eq3A_29 : i1 to i32
    %cond3A = arith.constant 0 : i32
    %cond3A_30 = arith.cmpi ne, %convert_element_type3A, %cond3A : i32
    scf.if %cond3A_30 {
      %broadcast_in_dim3A_48 = arith.constant 0.000000e+00 : f32
      %broadcast_in_dim3A_49 = vector.broadcast %broadcast_in_dim3A_48 : f32 to vector<8x32xf32>
      %swap3A_50 = arith.constant 0 : index
      %swap3A_51 = arith.constant 0 : index
      %swap3A_52 = vector.load %arg6[%swap3A_50, %swap3A_51] : memref<8x32xf32, #tpu.memory_space<vmem>>, vector<8x32xf32>
      tpu.vector_store %arg6[%swap3A_50, %swap3A_51], %broadcast_in_dim3A_49 {strides = array<i32>} : memref<8x32xf32, #tpu.memory_space<vmem>>, vector<8x32xf32>,
      %broadcast_in_dim3A_53 = arith.constant 0.000000e+00 : f32
      %broadcast_in_dim3A_54 = vector.broadcast %broadcast_in_dim3A_53 : f32 to vector<32x32xf32>
      %swap3A_55 = arith.constant 0 : index
      %swap3A_56 = arith.constant 0 : index
      %swap3A_57 = vector.load %arg7[%swap3A_55, %swap3A_56] : memref<32x32xf32, #tpu.memory_space<vmem>>, vector<32x32xf32>
      tpu.vector_store %arg7[%swap3A_55, %swap3A_56], %broadcast_in_dim3A_54 {strides = array<i32>} : memref<32x32xf32, #tpu.memory_space<vmem>>, vector<32x32xf32>,
    } else {
    }
    %get3A_31 = arith.constant 0 : index
    %get3A_32 = arith.constant 0 : index
    %get3A_33 = vector.load %arg6[%get3A_31, %get3A_32] : memref<8x32xf32, #tpu.memory_space<vmem>>, vector<1x32xf32>
    %reduce_sum3A = arith.constant dense<0.000000e+00> : vector<32xf32>
    %reduce_sum3A_34 = vector.multi_reduction <add>, %add3A_28, %reduce_sum3A [0] : vector<6400x32xf32> to vector<32xf32>
    %broadcast_in_dim3A_35 = vector.shape_cast %reduce_sum3A_34 : vector<32xf32> to vector<1x32xf32>
    %add3A_36 = arith.addf %get3A_33, %broadcast_in_dim3A_35 : vector<1x32xf32>
    %swap3A = arith.constant 0 : index
    %swap3A_37 = arith.constant 0 : index
    %swap3A_38 = vector.load %arg6[%swap3A, %swap3A_37] : memref<8x32xf32, #tpu.memory_space<vmem>>, vector<1x32xf32>
    tpu.vector_store %arg6[%swap3A, %swap3A_37], %add3A_36 {strides = array<i32>} : memref<8x32xf32, #tpu.memory_space<vmem>>, vector<1x32xf32>,
    %get3A_39 = arith.constant 0 : index
    %get3A_40 = arith.constant 0 : index
    %get3A_41 = vector.load %arg7[%get3A_39, %get3A_40] : memref<32x32xf32, #tpu.memory_space<vmem>>, vector<32x32xf32>
    %dot_general3A_42 = arith.constant dense<0.000000e+00> : vector<32x32xf32>
    %dot_general3A_43 = tpu.matmul %add3A_28, %add3A_28, %dot_general3A_42 {dimension_numbers = #tpu.dot_dimension_numbers<[0], [0], [1], [1], [0, 1, 1, 1], [], []>, transpose_lhs_hint = false} : vector<6400x32xf32>, vector<6400x32xf32>, vector<32x32xf32> -> vector<32x32xf32>
    %add3A_44 = arith.addf %get3A_41, %dot_general3A_43 : vector<32x32xf32>
    %swap3A_45 = arith.constant 0 : index
    %swap3A_46 = arith.constant 0 : index
    %swap3A_47 = vector.load %arg7[%swap3A_45, %swap3A_46] : memref<32x32xf32, #tpu.memory_space<vmem>>, vector<32x32xf32>
    tpu.vector_store %arg7[%swap3A_45, %swap3A_46], %add3A_44 {strides = array<i32>} : memref<32x32xf32, #tpu.memory_space<vmem>>, vector<32x32xf32>,
    return
  }
  func.func @transform_0(%arg0: i32) -> (i32, i32, i32) {
    %c0_i32 = arith.constant 0 : i32
    %c0_i32_0 = arith.constant 0 : i32
    %c0_i32_1 = arith.constant 0 : i32
    return %c0_i32, %arg0, %c0_i32_0 : i32, i32, i32
  }
  func.func @transform_1(%arg0: i32) -> (i32, i32) {
    %c0_i32 = arith.constant 0 : i32
    %c0_i32_0 = arith.constant 0 : i32
    return %arg0, %c0_i32 : i32, i32
  }
  func.func @transform_2(%arg0: i32) -> (i32, i32) {
    %c0_i32 = arith.constant 0 : i32
    %c0_i32_0 = arith.constant 0 : i32
    %c0_i32_1 = arith.constant 0 : i32
    return %c0_i32, %c0_i32_0 : i32, i32
  }
  func.func @transform_3(%arg0: i32) -> (i32, i32) {
    %c0_i32 = arith.constant 0 : i32
    %c0_i32_0 = arith.constant 0 : i32
    %c0_i32_1 = arith.constant 0 : i32
    return %c0_i32, %c0_i32_0 : i32, i32
  }
  func.func @transform_4(%arg0: i32) -> (i32, i32) {
    %c0_i32 = arith.constant 0 : i32
    %c0_i32_0 = arith.constant 0 : i32
    %c0_i32_1 = arith.constant 0 : i32
    return %c0_i32, %c0_i32_0 : i32, i32
  }
  func.func @transform_5(%arg0: i32) -> (i32, i32) {
    %c0_i32 = arith.constant 0 : i32
    %c0_i32_0 = arith.constant 0 : i32
    %c0_i32_1 = arith.constant 0 : i32
    return %c0_i32, %c0_i32_0 : i32, i32
  }
  func.func @transform_6(%arg0: i32) -> (i32, i32) {
    %c0_i32 = arith.constant 0 : i32
    %c0_i32_0 = arith.constant 0 : i32
    %c0_i32_1 = arith.constant 0 : i32
    return %c0_i32, %c0_i32_0 : i32, i32
  }
}

module attributes {stable_mosaic.version = 14 : i64} {
  func.func @body(%arg0: i32, %arg1: memref<16x400x32xf32, #tpu.memory_space<vmem>>, %arg2: memref<16x400x16xf32, #tpu.memory_space<vmem>>, %arg3: memref<400x16xf32, #tpu.memory_space<vmem>>, %arg4: memref<8x32xf32, #tpu.memory_space<vmem>>, %arg5: memref<16x32xf32, #tpu.memory_space<vmem>>, %arg6: memref<16x32xf32, #tpu.memory_space<vmem>>, %arg7: memref<16x32xf32, #tpu.memory_space<vmem>>, %arg8: memref<64x64xf32, #tpu.memory_space<vmem>>, %arg9: memref<32x32xf32, #tpu.memory_space<vmem>>, %arg10: memref<64x32xf32, #tpu.memory_space<vmem>>, %arg11: memref<400x32xf32, #tpu.memory_space<vmem>>, %arg12: memref<8x32xf32, #tpu.memory_space<vmem>>, %arg13: memref<8x32xf32, #tpu.memory_space<vmem>>, %arg14: memref<32x32xf32, #tpu.memory_space<vmem>>) attributes {dimension_semantics = [#tpu.dimension_semantics<arbitrary>], iteration_bounds = array<i64: 125>, scalar_prefetch = 0 : i64, scratch_operands = 0 : i64, tpu.core_type = #tpu.core_type<tc>, window_params = [{transform_indices = @transform_0, window_bounds = array<i64: 16, 400, 32>}, {transform_indices = @transform_1, window_bounds = array<i64: 16, 400, 16>}, {transform_indices = @transform_2, window_bounds = array<i64: 400, 16>}, {pipeline_mode = #tpu.pipeline_mode<synchronous>, transform_indices = @transform_3, window_bounds = array<i64: 8, 32>}, {pipeline_mode = #tpu.pipeline_mode<synchronous>, transform_indices = @transform_4, window_bounds = array<i64: 16, 32>}, {pipeline_mode = #tpu.pipeline_mode<synchronous>, transform_indices = @transform_5, window_bounds = array<i64: 16, 32>}, {pipeline_mode = #tpu.pipeline_mode<synchronous>, transform_indices = @transform_6, window_bounds = array<i64: 16, 32>}, {pipeline_mode = #tpu.pipeline_mode<synchronous>, transform_indices = @transform_7, window_bounds = array<i64: 64, 64>}, {pipeline_mode = #tpu.pipeline_mode<synchronous>, transform_indices = @transform_8, window_bounds = array<i64: 32, 32>}, {pipeline_mode = #tpu.pipeline_mode<synchronous>, transform_indices = @transform_9, window_bounds = array<i64: 64, 32>}, {transform_indices = @transform_10, window_bounds = array<i64: 400, 32>}, {pipeline_mode = #tpu.pipeline_mode<synchronous>, transform_indices = @transform_11, window_bounds = array<i64: 8, 32>}, {pipeline_mode = #tpu.pipeline_mode<synchronous>, transform_indices = @transform_12, window_bounds = array<i64: 8, 32>}, {pipeline_mode = #tpu.pipeline_mode<synchronous>, transform_indices = @transform_13, window_bounds = array<i64: 32, 32>}]} {
    %get3A = arith.constant 0 : index
    %get3A_0 = arith.constant 0 : index
    %get3A_1 = arith.constant 0 : index
    %get3A_2 = vector.load %arg2[%get3A, %get3A_0, %get3A_1] : memref<16x400x16xf32, #tpu.memory_space<vmem>>, vector<16x400x16xf32>
    %get3A_3 = arith.constant 0 : index
    %get3A_4 = arith.constant 0 : index
    %get3A_5 = vector.load %arg3[%get3A_3, %get3A_4] : memref<400x16xf32, #tpu.memory_space<vmem>>, vector<400x16xf32>
    %broadcast_in_dim3A = vector.shape_cast %get3A_5 : vector<400x16xf32> to vector<1x400x16xf32>
    %broadcast_in_dim3A_6 = vector.shape_cast %broadcast_in_dim3A : vector<1x400x16xf32> to vector<1x400x16xf32>
    %broadcast_in_dim3A_7 = vector.broadcast %broadcast_in_dim3A_6 : vector<1x400x16xf32> to vector<16x400x16xf32>
    %sub3A = arith.subf %broadcast_in_dim3A_7, %get3A_2 : vector<16x400x16xf32>
    %reshape3A = vector.shape_cast %sub3A : vector<16x400x16xf32> to vector<6400x16xf32>
    %broadcast_in_dim3A_8 = arith.constant 1.000000e+00 : f32
    %broadcast_in_dim3A_9 = vector.broadcast %broadcast_in_dim3A_8 : f32 to vector<16x16xf32>
    %mul3A = arith.mulf %reshape3A, %reshape3A : vector<6400x16xf32>
    %dot_general3A = arith.constant dense<0.000000e+00> : vector<6400x16xf32>
    %dot_general3A_10 = tpu.matmul %mul3A, %broadcast_in_dim3A_9, %dot_general3A {dimension_numbers = #tpu.dot_dimension_numbers<[1], [0], [0], [1], [0, 0, 1, 1], [], []>, transpose_lhs_hint = false} : vector<6400x16xf32>, vector<16x16xf32>, vector<6400x16xf32> -> vector<6400x16xf32>
    %sqrt3A = math.sqrt %dot_general3A_10 : vector<6400x16xf32>
    %get3A_11 = arith.constant 0 : index
    %get3A_12 = arith.constant 0 : index
    %get3A_13 = vector.load %arg5[%get3A_11, %get3A_12] : memref<16x32xf32, #tpu.memory_space<vmem>>, vector<16x32xf32>
    %dot_general3A_14 = arith.constant dense<0.000000e+00> : vector<6400x32xf32>
    %dot_general3A_15 = tpu.matmul %sqrt3A, %get3A_13, %dot_general3A_14 {dimension_numbers = #tpu.dot_dimension_numbers<[1], [0], [0], [1], [0, 0, 1, 1], [], []>, transpose_lhs_hint = false} : vector<6400x16xf32>, vector<16x32xf32>, vector<6400x32xf32> -> vector<6400x32xf32>
    %reshape3A_16 = vector.shape_cast %broadcast_in_dim3A_7 : vector<16x400x16xf32> to vector<6400x16xf32>
    %get3A_17 = arith.constant 0 : index
    %get3A_18 = arith.constant 0 : index
    %get3A_19 = vector.load %arg6[%get3A_17, %get3A_18] : memref<16x32xf32, #tpu.memory_space<vmem>>, vector<16x32xf32>
    %dot_general3A_20 = arith.constant dense<0.000000e+00> : vector<6400x32xf32>
    %dot_general3A_21 = tpu.matmul %reshape3A_16, %get3A_19, %dot_general3A_20 {dimension_numbers = #tpu.dot_dimension_numbers<[1], [0], [0], [1], [0, 0, 1, 1], [], []>, transpose_lhs_hint = false} : vector<6400x16xf32>, vector<16x32xf32>, vector<6400x32xf32> -> vector<6400x32xf32>
    %add3A = arith.addf %dot_general3A_15, %dot_general3A_21 : vector<6400x32xf32>
    %reshape3A_22 = vector.shape_cast %get3A_2 : vector<16x400x16xf32> to vector<6400x16xf32>
    %get3A_23 = arith.constant 0 : index
    %get3A_24 = arith.constant 0 : index
    %get3A_25 = vector.load %arg7[%get3A_23, %get3A_24] : memref<16x32xf32, #tpu.memory_space<vmem>>, vector<16x32xf32>
    %dot_general3A_26 = arith.constant dense<0.000000e+00> : vector<6400x32xf32>
    %dot_general3A_27 = tpu.matmul %reshape3A_22, %get3A_25, %dot_general3A_26 {dimension_numbers = #tpu.dot_dimension_numbers<[1], [0], [0], [1], [0, 0, 1, 1], [], []>, transpose_lhs_hint = false} : vector<6400x16xf32>, vector<16x32xf32>, vector<6400x32xf32> -> vector<6400x32xf32>
    %add3A_28 = arith.addf %add3A, %dot_general3A_27 : vector<6400x32xf32>
    %get3A_29 = arith.constant 0 : index
    %get3A_30 = arith.constant 0 : index
    %get3A_31 = vector.load %arg4[%get3A_29, %get3A_30] : memref<8x32xf32, #tpu.memory_space<vmem>>, vector<1x32xf32>
    %mul3A_32 = vector.broadcast %get3A_31 : vector<1x32xf32> to vector<6400x32xf32>
    %mul3A_33 = arith.mulf %add3A_28, %mul3A_32 : vector<6400x32xf32>
    %get3A_34 = arith.constant 1 : index
    %get3A_35 = arith.constant 0 : index
    %get3A_36 = vector.load %arg4[%get3A_34, %get3A_35] : memref<8x32xf32, #tpu.memory_space<vmem>>, vector<1x32xf32>
    %add3A_37 = vector.broadcast %get3A_36 : vector<1x32xf32> to vector<6400x32xf32>
    %add3A_38 = arith.addf %mul3A_33, %add3A_37 : vector<6400x32xf32>
    %ge3A = arith.constant 0.000000e+00 : f32
    %ge3A_39 = vector.broadcast %ge3A : f32 to vector<6400x32xf32>
    %ge3A_40 = arith.cmpf oge, %add3A_38, %ge3A_39 : vector<6400x32xf32>
    %mul3A_41 = arith.constant 2.000000e-01 : f32
    %mul3A_42 = vector.broadcast %mul3A_41 : f32 to vector<6400x32xf32>
    %mul3A_43 = arith.mulf %mul3A_42, %add3A_38 : vector<6400x32xf32>
    %select_n3A = arith.select %ge3A_40, %add3A_38, %mul3A_43 : vector<6400x32xi1>, vector<6400x32xf32>
    %get3A_44 = arith.constant 0 : index
    %get3A_45 = arith.constant 0 : index
    %get3A_46 = arith.constant 0 : index
    %get3A_47 = vector.load %arg1[%get3A_44, %get3A_45, %get3A_46] : memref<16x400x32xf32, #tpu.memory_space<vmem>>, vector<16x400x32xf32>
    %reshape3A_48 = vector.shape_cast %get3A_47 : vector<16x400x32xf32> to vector<6400x32xf32>
    %concatenate3A = tpu.concatenate %reshape3A_48, %select_n3A in 1 : vector<6400x32xf32>, vector<6400x32xf32> -> vector<6400x64xf32>
    %get3A_49 = arith.constant 0 : index
    %get3A_50 = arith.constant 0 : index
    %get3A_51 = vector.load %arg8[%get3A_49, %get3A_50] : memref<64x64xf32, #tpu.memory_space<vmem>>, vector<64x64xf32>
    %dot_general3A_52 = arith.constant dense<0.000000e+00> : vector<6400x64xf32>
    %dot_general3A_53 = tpu.matmul %concatenate3A, %get3A_51, %dot_general3A_52 {dimension_numbers = #tpu.dot_dimension_numbers<[1], [0], [0], [1], [0, 0, 1, 1], [], []>, transpose_lhs_hint = false} : vector<6400x64xf32>, vector<64x64xf32>, vector<6400x64xf32> -> vector<6400x64xf32>
    %reshape3A_54 = vector.shape_cast %dot_general3A_53 : vector<6400x64xf32> to vector<16x400x64xf32>
    %min3A = arith.constant 6.000000e+01 : f32
    %min3A_55 = vector.broadcast %min3A : f32 to vector<16x400x64xf32>
    %min3A_56 = arith.minimumf %reshape3A_54, %min3A_55 : vector<16x400x64xf32>
    %exp3A = math.exp %min3A_56 : vector<16x400x64xf32>
    %reduce_sum3A = arith.constant dense<0.000000e+00> : vector<400x64xf32>
    %reduce_sum3A_57 = vector.multi_reduction <add>, %exp3A, %reduce_sum3A [0] : vector<16x400x64xf32> to vector<400x64xf32>
    %reshape3A_58 = vector.shape_cast %concatenate3A : vector<6400x64xf32> to vector<16x400x64xf32>
    %mul3A_59 = arith.mulf %exp3A, %reshape3A_58 : vector<16x400x64xf32>
    %reduce_sum3A_60 = arith.constant dense<0.000000e+00> : vector<400x64xf32>
    %reduce_sum3A_61 = vector.multi_reduction <add>, %mul3A_59, %reduce_sum3A_60 [0] : vector<16x400x64xf32> to vector<400x64xf32>
    %div3A = arith.divf %reduce_sum3A_61, %reduce_sum3A_57 : vector<400x64xf32>
    %get3A_62 = arith.constant 0 : index
    %get3A_63 = arith.constant 0 : index
    %get3A_64 = vector.load %arg10[%get3A_62, %get3A_63] : memref<64x32xf32, #tpu.memory_space<vmem>>, vector<64x32xf32>
    %dot_general3A_65 = arith.constant dense<0.000000e+00> : vector<400x32xf32>
    %dot_general3A_66 = tpu.matmul %div3A, %get3A_64, %dot_general3A_65 {dimension_numbers = #tpu.dot_dimension_numbers<[1], [0], [0], [1], [0, 0, 1, 1], [], []>, transpose_lhs_hint = false} : vector<400x64xf32>, vector<64x32xf32>, vector<400x32xf32> -> vector<400x32xf32>
    %swap3A = arith.constant 0 : index
    %swap3A_67 = arith.constant 0 : index
    %swap3A_68 = vector.load %arg11[%swap3A, %swap3A_67] : memref<400x32xf32, #tpu.memory_space<vmem>>, vector<400x32xf32>
    tpu.vector_store %arg11[%swap3A, %swap3A_67], %dot_general3A_66 {strides = array<i32>} : memref<400x32xf32, #tpu.memory_space<vmem>>, vector<400x32xf32>,
    %get3A_69 = arith.constant 0 : index
    %get3A_70 = arith.constant 0 : index
    %get3A_71 = vector.load %arg9[%get3A_69, %get3A_70] : memref<32x32xf32, #tpu.memory_space<vmem>>, vector<32x32xf32>
    %dot_general3A_72 = arith.constant dense<0.000000e+00> : vector<6400x32xf32>
    %dot_general3A_73 = tpu.matmul %select_n3A, %get3A_71, %dot_general3A_72 {dimension_numbers = #tpu.dot_dimension_numbers<[1], [0], [0], [1], [0, 0, 1, 1], [], []>, transpose_lhs_hint = false} : vector<6400x32xf32>, vector<32x32xf32>, vector<6400x32xf32> -> vector<6400x32xf32>
    %eq3A = arith.constant 0 : i32
    %eq3A_74 = arith.cmpi eq, %arg0, %eq3A : i32
    %convert_element_type3A = arith.extui %eq3A_74 : i1 to i32
    %cond3A = arith.constant 0 : i32
    %cond3A_75 = arith.cmpi ne, %convert_element_type3A, %cond3A : i32
    scf.if %cond3A_75 {
      %broadcast_in_dim3A_116 = arith.constant 0.000000e+00 : f32
      %broadcast_in_dim3A_117 = vector.broadcast %broadcast_in_dim3A_116 : f32 to vector<8x32xf32>
      %swap3A_118 = arith.constant 0 : index
      %swap3A_119 = arith.constant 0 : index
      %swap3A_120 = vector.load %arg12[%swap3A_118, %swap3A_119] : memref<8x32xf32, #tpu.memory_space<vmem>>, vector<8x32xf32>
      tpu.vector_store %arg12[%swap3A_118, %swap3A_119], %broadcast_in_dim3A_117 {strides = array<i32>} : memref<8x32xf32, #tpu.memory_space<vmem>>, vector<8x32xf32>,
      %broadcast_in_dim3A_121 = arith.constant 0.000000e+00 : f32
      %broadcast_in_dim3A_122 = vector.broadcast %broadcast_in_dim3A_121 : f32 to vector<8x32xf32>
      %swap3A_123 = arith.constant 0 : index
      %swap3A_124 = arith.constant 0 : index
      %swap3A_125 = vector.load %arg13[%swap3A_123, %swap3A_124] : memref<8x32xf32, #tpu.memory_space<vmem>>, vector<8x32xf32>
      tpu.vector_store %arg13[%swap3A_123, %swap3A_124], %broadcast_in_dim3A_122 {strides = array<i32>} : memref<8x32xf32, #tpu.memory_space<vmem>>, vector<8x32xf32>,
      %broadcast_in_dim3A_126 = arith.constant 0.000000e+00 : f32
      %broadcast_in_dim3A_127 = vector.broadcast %broadcast_in_dim3A_126 : f32 to vector<32x32xf32>
      %swap3A_128 = arith.constant 0 : index
      %swap3A_129 = arith.constant 0 : index
      %swap3A_130 = vector.load %arg14[%swap3A_128, %swap3A_129] : memref<32x32xf32, #tpu.memory_space<vmem>>, vector<32x32xf32>
      tpu.vector_store %arg14[%swap3A_128, %swap3A_129], %broadcast_in_dim3A_127 {strides = array<i32>} : memref<32x32xf32, #tpu.memory_space<vmem>>, vector<32x32xf32>,
    } else {
    }
    %get3A_76 = arith.constant 0 : index
    %get3A_77 = arith.constant 0 : index
    %get3A_78 = vector.load %arg12[%get3A_76, %get3A_77] : memref<8x32xf32, #tpu.memory_space<vmem>>, vector<1x32xf32>
    %reduce_sum3A_79 = arith.constant dense<0.000000e+00> : vector<32xf32>
    %reduce_sum3A_80 = vector.multi_reduction <add>, %dot_general3A_66, %reduce_sum3A_79 [0] : vector<400x32xf32> to vector<32xf32>
    %broadcast_in_dim3A_81 = vector.shape_cast %reduce_sum3A_80 : vector<32xf32> to vector<1x32xf32>
    %add3A_82 = arith.addf %get3A_78, %broadcast_in_dim3A_81 : vector<1x32xf32>
    %swap3A_83 = arith.constant 0 : index
    %swap3A_84 = arith.constant 0 : index
    %swap3A_85 = vector.load %arg12[%swap3A_83, %swap3A_84] : memref<8x32xf32, #tpu.memory_space<vmem>>, vector<1x32xf32>
    tpu.vector_store %arg12[%swap3A_83, %swap3A_84], %add3A_82 {strides = array<i32>} : memref<8x32xf32, #tpu.memory_space<vmem>>, vector<1x32xf32>,
    %get3A_86 = arith.constant 1 : index
    %get3A_87 = arith.constant 0 : index
    %get3A_88 = vector.load %arg12[%get3A_86, %get3A_87] : memref<8x32xf32, #tpu.memory_space<vmem>>, vector<1x32xf32>
    %mul3A_89 = arith.mulf %dot_general3A_66, %dot_general3A_66 : vector<400x32xf32>
    %reduce_sum3A_90 = arith.constant dense<0.000000e+00> : vector<32xf32>
    %reduce_sum3A_91 = vector.multi_reduction <add>, %mul3A_89, %reduce_sum3A_90 [0] : vector<400x32xf32> to vector<32xf32>
    %broadcast_in_dim3A_92 = vector.shape_cast %reduce_sum3A_91 : vector<32xf32> to vector<1x32xf32>
    %add3A_93 = arith.addf %get3A_88, %broadcast_in_dim3A_92 : vector<1x32xf32>
    %swap3A_94 = arith.constant 1 : index
    %swap3A_95 = arith.constant 0 : index
    %swap3A_96 = vector.load %arg12[%swap3A_94, %swap3A_95] : memref<8x32xf32, #tpu.memory_space<vmem>>, vector<1x32xf32>
    tpu.vector_store %arg12[%swap3A_94, %swap3A_95], %add3A_93 {strides = array<i32>} : memref<8x32xf32, #tpu.memory_space<vmem>>, vector<1x32xf32>,
    %get3A_97 = arith.constant 0 : index
    %get3A_98 = arith.constant 0 : index
    %get3A_99 = vector.load %arg13[%get3A_97, %get3A_98] : memref<8x32xf32, #tpu.memory_space<vmem>>, vector<1x32xf32>
    %reduce_sum3A_100 = arith.constant dense<0.000000e+00> : vector<32xf32>
    %reduce_sum3A_101 = vector.multi_reduction <add>, %dot_general3A_73, %reduce_sum3A_100 [0] : vector<6400x32xf32> to vector<32xf32>
    %broadcast_in_dim3A_102 = vector.shape_cast %reduce_sum3A_101 : vector<32xf32> to vector<1x32xf32>
    %add3A_103 = arith.addf %get3A_99, %broadcast_in_dim3A_102 : vector<1x32xf32>
    %swap3A_104 = arith.constant 0 : index
    %swap3A_105 = arith.constant 0 : index
    %swap3A_106 = vector.load %arg13[%swap3A_104, %swap3A_105] : memref<8x32xf32, #tpu.memory_space<vmem>>, vector<1x32xf32>
    tpu.vector_store %arg13[%swap3A_104, %swap3A_105], %add3A_103 {strides = array<i32>} : memref<8x32xf32, #tpu.memory_space<vmem>>, vector<1x32xf32>,
    %get3A_107 = arith.constant 0 : index
    %get3A_108 = arith.constant 0 : index
    %get3A_109 = vector.load %arg14[%get3A_107, %get3A_108] : memref<32x32xf32, #tpu.memory_space<vmem>>, vector<32x32xf32>
    %dot_general3A_110 = arith.constant dense<0.000000e+00> : vector<32x32xf32>
    %dot_general3A_111 = tpu.matmul %dot_general3A_73, %dot_general3A_73, %dot_general3A_110 {dimension_numbers = #tpu.dot_dimension_numbers<[0], [0], [1], [1], [0, 1, 1, 1], [], []>, transpose_lhs_hint = false} : vector<6400x32xf32>, vector<6400x32xf32>, vector<32x32xf32> -> vector<32x32xf32>
    %add3A_112 = arith.addf %get3A_109, %dot_general3A_111 : vector<32x32xf32>
    %swap3A_113 = arith.constant 0 : index
    %swap3A_114 = arith.constant 0 : index
    %swap3A_115 = vector.load %arg14[%swap3A_113, %swap3A_114] : memref<32x32xf32, #tpu.memory_space<vmem>>, vector<32x32xf32>
    tpu.vector_store %arg14[%swap3A_113, %swap3A_114], %add3A_112 {strides = array<i32>} : memref<32x32xf32, #tpu.memory_space<vmem>>, vector<32x32xf32>,
    return
  }
  func.func @transform_0(%arg0: i32) -> (i32, i32, i32) {
    %c0_i32 = arith.constant 0 : i32
    %c0_i32_0 = arith.constant 0 : i32
    %c0_i32_1 = arith.constant 0 : i32
    return %c0_i32, %arg0, %c0_i32_0 : i32, i32, i32
  }
  func.func @transform_1(%arg0: i32) -> (i32, i32, i32) {
    %c0_i32 = arith.constant 0 : i32
    %c0_i32_0 = arith.constant 0 : i32
    %c0_i32_1 = arith.constant 0 : i32
    return %c0_i32, %arg0, %c0_i32_0 : i32, i32, i32
  }
  func.func @transform_2(%arg0: i32) -> (i32, i32) {
    %c0_i32 = arith.constant 0 : i32
    %c0_i32_0 = arith.constant 0 : i32
    return %arg0, %c0_i32 : i32, i32
  }
  func.func @transform_3(%arg0: i32) -> (i32, i32) {
    %c0_i32 = arith.constant 0 : i32
    %c0_i32_0 = arith.constant 0 : i32
    %c0_i32_1 = arith.constant 0 : i32
    return %c0_i32, %c0_i32_0 : i32, i32
  }
  func.func @transform_4(%arg0: i32) -> (i32, i32) {
    %c0_i32 = arith.constant 0 : i32
    %c0_i32_0 = arith.constant 0 : i32
    %c0_i32_1 = arith.constant 0 : i32
    return %c0_i32, %c0_i32_0 : i32, i32
  }
  func.func @transform_5(%arg0: i32) -> (i32, i32) {
    %c0_i32 = arith.constant 0 : i32
    %c0_i32_0 = arith.constant 0 : i32
    %c0_i32_1 = arith.constant 0 : i32
    return %c0_i32, %c0_i32_0 : i32, i32
  }
  func.func @transform_6(%arg0: i32) -> (i32, i32) {
    %c0_i32 = arith.constant 0 : i32
    %c0_i32_0 = arith.constant 0 : i32
    %c0_i32_1 = arith.constant 0 : i32
    return %c0_i32, %c0_i32_0 : i32, i32
  }
  func.func @transform_7(%arg0: i32) -> (i32, i32) {
    %c0_i32 = arith.constant 0 : i32
    %c0_i32_0 = arith.constant 0 : i32
    %c0_i32_1 = arith.constant 0 : i32
    return %c0_i32, %c0_i32_0 : i32, i32
  }
  func.func @transform_8(%arg0: i32) -> (i32, i32) {
    %c0_i32 = arith.constant 0 : i32
    %c0_i32_0 = arith.constant 0 : i32
    %c0_i32_1 = arith.constant 0 : i32
    return %c0_i32, %c0_i32_0 : i32, i32
  }
  func.func @transform_9(%arg0: i32) -> (i32, i32) {
    %c0_i32 = arith.constant 0 : i32
    %c0_i32_0 = arith.constant 0 : i32
    %c0_i32_1 = arith.constant 0 : i32
    return %c0_i32, %c0_i32_0 : i32, i32
  }
  func.func @transform_10(%arg0: i32) -> (i32, i32) {
    %c0_i32 = arith.constant 0 : i32
    %c0_i32_0 = arith.constant 0 : i32
    return %arg0, %c0_i32 : i32, i32
  }
  func.func @transform_11(%arg0: i32) -> (i32, i32) {
    %c0_i32 = arith.constant 0 : i32
    %c0_i32_0 = arith.constant 0 : i32
    %c0_i32_1 = arith.constant 0 : i32
    return %c0_i32, %c0_i32_0 : i32, i32
  }
  func.func @transform_12(%arg0: i32) -> (i32, i32) {
    %c0_i32 = arith.constant 0 : i32
    %c0_i32_0 = arith.constant 0 : i32
    %c0_i32_1 = arith.constant 0 : i32
    return %c0_i32, %c0_i32_0 : i32, i32
  }
  func.func @transform_13(%arg0: i32) -> (i32, i32) {
    %c0_i32 = arith.constant 0 : i32
    %c0_i32_0 = arith.constant 0 : i32
    %c0_i32_1 = arith.constant 0 : i32
    return %c0_i32, %c0_i32_0 : i32, i32
  }
}

module attributes {stable_mosaic.version = 14 : i64} {
  func.func @body(%arg0: i32, %arg1: memref<1000x32xf32, #tpu.memory_space<vmem>>, %arg2: memref<8x32xf32, #tpu.memory_space<vmem>>, %arg3: memref<1000x32xf32, #tpu.memory_space<vmem>>) attributes {dimension_semantics = [#tpu.dimension_semantics<arbitrary>], iteration_bounds = array<i64: 50>, scalar_prefetch = 0 : i64, scratch_operands = 0 : i64, tpu.core_type = #tpu.core_type<tc>, window_params = [{transform_indices = @transform_0, window_bounds = array<i64: 1000, 32>}, {pipeline_mode = #tpu.pipeline_mode<synchronous>, transform_indices = @transform_1, window_bounds = array<i64: 8, 32>}, {transform_indices = @transform_2, window_bounds = array<i64: 1000, 32>}]} {
    %get3A = arith.constant 0 : index
    %get3A_0 = arith.constant 0 : index
    %get3A_1 = vector.load %arg1[%get3A, %get3A_0] : memref<1000x32xf32, #tpu.memory_space<vmem>>, vector<1000x32xf32>
    %get3A_2 = arith.constant 0 : index
    %get3A_3 = arith.constant 0 : index
    %get3A_4 = vector.load %arg2[%get3A_2, %get3A_3] : memref<8x32xf32, #tpu.memory_space<vmem>>, vector<1x32xf32>
    %mul3A = vector.broadcast %get3A_4 : vector<1x32xf32> to vector<1000x32xf32>
    %mul3A_5 = arith.mulf %get3A_1, %mul3A : vector<1000x32xf32>
    %get3A_6 = arith.constant 1 : index
    %get3A_7 = arith.constant 0 : index
    %get3A_8 = vector.load %arg2[%get3A_6, %get3A_7] : memref<8x32xf32, #tpu.memory_space<vmem>>, vector<1x32xf32>
    %add3A = vector.broadcast %get3A_8 : vector<1x32xf32> to vector<1000x32xf32>
    %add3A_9 = arith.addf %mul3A_5, %add3A : vector<1000x32xf32>
    %ge3A = arith.constant 0.000000e+00 : f32
    %ge3A_10 = vector.broadcast %ge3A : f32 to vector<1000x32xf32>
    %ge3A_11 = arith.cmpf oge, %add3A_9, %ge3A_10 : vector<1000x32xf32>
    %mul3A_12 = arith.constant 2.000000e-01 : f32
    %mul3A_13 = vector.broadcast %mul3A_12 : f32 to vector<1000x32xf32>
    %mul3A_14 = arith.mulf %mul3A_13, %add3A_9 : vector<1000x32xf32>
    %select_n3A = arith.select %ge3A_11, %add3A_9, %mul3A_14 : vector<1000x32xi1>, vector<1000x32xf32>
    %swap3A = arith.constant 0 : index
    %swap3A_15 = arith.constant 0 : index
    %swap3A_16 = vector.load %arg3[%swap3A, %swap3A_15] : memref<1000x32xf32, #tpu.memory_space<vmem>>, vector<1000x32xf32>
    tpu.vector_store %arg3[%swap3A, %swap3A_15], %select_n3A {strides = array<i32>} : memref<1000x32xf32, #tpu.memory_space<vmem>>, vector<1000x32xf32>,
    return
  }
  func.func @transform_0(%arg0: i32) -> (i32, i32) {
    %c0_i32 = arith.constant 0 : i32
    %c0_i32_0 = arith.constant 0 : i32
    return %arg0, %c0_i32 : i32, i32
  }
  func.func @transform_1(%arg0: i32) -> (i32, i32) {
    %c0_i32 = arith.constant 0 : i32
    %c0_i32_0 = arith.constant 0 : i32
    %c0_i32_1 = arith.constant 0 : i32
    return %c0_i32, %c0_i32_0 : i32, i32
  }
  func.func @transform_2(%arg0: i32) -> (i32, i32) {
    %c0_i32 = arith.constant 0 : i32
    %c0_i32_0 = arith.constant 0 : i32
    return %arg0, %c0_i32 : i32, i32
  }
}

module attributes {stable_mosaic.version = 14 : i64} {
  func.func @body(%arg0: i32, %arg1: memref<16x400x32xf32, #tpu.memory_space<vmem>>, %arg2: memref<16x400x16xf32, #tpu.memory_space<vmem>>, %arg3: memref<400x16xf32, #tpu.memory_space<vmem>>, %arg4: memref<8x32xf32, #tpu.memory_space<vmem>>, %arg5: memref<16x32xf32, #tpu.memory_space<vmem>>, %arg6: memref<16x32xf32, #tpu.memory_space<vmem>>, %arg7: memref<16x32xf32, #tpu.memory_space<vmem>>, %arg8: memref<32x32xf32, #tpu.memory_space<vmem>>, %arg9: memref<64x64xf32, #tpu.memory_space<vmem>>, %arg10: memref<64x64xf32, #tpu.memory_space<vmem>>, %arg11: memref<400x64xf32, #tpu.memory_space<vmem>>, %arg12: memref<8x64xf32, #tpu.memory_space<vmem>>) attributes {dimension_semantics = [#tpu.dimension_semantics<arbitrary>], iteration_bounds = array<i64: 125>, scalar_prefetch = 0 : i64, scratch_operands = 0 : i64, tpu.core_type = #tpu.core_type<tc>, window_params = [{transform_indices = @transform_0, window_bounds = array<i64: 16, 400, 32>}, {transform_indices = @transform_1, window_bounds = array<i64: 16, 400, 16>}, {transform_indices = @transform_2, window_bounds = array<i64: 400, 16>}, {pipeline_mode = #tpu.pipeline_mode<synchronous>, transform_indices = @transform_3, window_bounds = array<i64: 8, 32>}, {pipeline_mode = #tpu.pipeline_mode<synchronous>, transform_indices = @transform_4, window_bounds = array<i64: 16, 32>}, {pipeline_mode = #tpu.pipeline_mode<synchronous>, transform_indices = @transform_5, window_bounds = array<i64: 16, 32>}, {pipeline_mode = #tpu.pipeline_mode<synchronous>, transform_indices = @transform_6, window_bounds = array<i64: 16, 32>}, {pipeline_mode = #tpu.pipeline_mode<synchronous>, transform_indices = @transform_7, window_bounds = array<i64: 32, 32>}, {pipeline_mode = #tpu.pipeline_mode<synchronous>, transform_indices = @transform_8, window_bounds = array<i64: 64, 64>}, {pipeline_mode = #tpu.pipeline_mode<synchronous>, transform_indices = @transform_9, window_bounds = array<i64: 64, 64>}, {transform_indices = @transform_10, window_bounds = array<i64: 400, 64>}, {pipeline_mode = #tpu.pipeline_mode<synchronous>, transform_indices = @transform_11, window_bounds = array<i64: 8, 64>}]} {
    %get3A = arith.constant 0 : index
    %get3A_0 = arith.constant 0 : index
    %get3A_1 = arith.constant 0 : index
    %get3A_2 = vector.load %arg2[%get3A, %get3A_0, %get3A_1] : memref<16x400x16xf32, #tpu.memory_space<vmem>>, vector<16x400x16xf32>
    %get3A_3 = arith.constant 0 : index
    %get3A_4 = arith.constant 0 : index
    %get3A_5 = vector.load %arg3[%get3A_3, %get3A_4] : memref<400x16xf32, #tpu.memory_space<vmem>>, vector<400x16xf32>
    %broadcast_in_dim3A = vector.shape_cast %get3A_5 : vector<400x16xf32> to vector<1x400x16xf32>
    %broadcast_in_dim3A_6 = vector.shape_cast %broadcast_in_dim3A : vector<1x400x16xf32> to vector<1x400x16xf32>
    %broadcast_in_dim3A_7 = vector.broadcast %broadcast_in_dim3A_6 : vector<1x400x16xf32> to vector<16x400x16xf32>
    %sub3A = arith.subf %broadcast_in_dim3A_7, %get3A_2 : vector<16x400x16xf32>
    %reshape3A = vector.shape_cast %sub3A : vector<16x400x16xf32> to vector<6400x16xf32>
    %broadcast_in_dim3A_8 = arith.constant 1.000000e+00 : f32
    %broadcast_in_dim3A_9 = vector.broadcast %broadcast_in_dim3A_8 : f32 to vector<16x16xf32>
    %mul3A = arith.mulf %reshape3A, %reshape3A : vector<6400x16xf32>
    %dot_general3A = arith.constant dense<0.000000e+00> : vector<6400x16xf32>
    %dot_general3A_10 = tpu.matmul %mul3A, %broadcast_in_dim3A_9, %dot_general3A {dimension_numbers = #tpu.dot_dimension_numbers<[1], [0], [0], [1], [0, 0, 1, 1], [], []>, transpose_lhs_hint = false} : vector<6400x16xf32>, vector<16x16xf32>, vector<6400x16xf32> -> vector<6400x16xf32>
    %sqrt3A = math.sqrt %dot_general3A_10 : vector<6400x16xf32>
    %get3A_11 = arith.constant 0 : index
    %get3A_12 = arith.constant 0 : index
    %get3A_13 = vector.load %arg5[%get3A_11, %get3A_12] : memref<16x32xf32, #tpu.memory_space<vmem>>, vector<16x32xf32>
    %dot_general3A_14 = arith.constant dense<0.000000e+00> : vector<6400x32xf32>
    %dot_general3A_15 = tpu.matmul %sqrt3A, %get3A_13, %dot_general3A_14 {dimension_numbers = #tpu.dot_dimension_numbers<[1], [0], [0], [1], [0, 0, 1, 1], [], []>, transpose_lhs_hint = false} : vector<6400x16xf32>, vector<16x32xf32>, vector<6400x32xf32> -> vector<6400x32xf32>
    %reshape3A_16 = vector.shape_cast %broadcast_in_dim3A_7 : vector<16x400x16xf32> to vector<6400x16xf32>
    %get3A_17 = arith.constant 0 : index
    %get3A_18 = arith.constant 0 : index
    %get3A_19 = vector.load %arg6[%get3A_17, %get3A_18] : memref<16x32xf32, #tpu.memory_space<vmem>>, vector<16x32xf32>
    %dot_general3A_20 = arith.constant dense<0.000000e+00> : vector<6400x32xf32>
    %dot_general3A_21 = tpu.matmul %reshape3A_16, %get3A_19, %dot_general3A_20 {dimension_numbers = #tpu.dot_dimension_numbers<[1], [0], [0], [1], [0, 0, 1, 1], [], []>, transpose_lhs_hint = false} : vector<6400x16xf32>, vector<16x32xf32>, vector<6400x32xf32> -> vector<6400x32xf32>
    %add3A = arith.addf %dot_general3A_15, %dot_general3A_21 : vector<6400x32xf32>
    %reshape3A_22 = vector.shape_cast %get3A_2 : vector<16x400x16xf32> to vector<6400x16xf32>
    %get3A_23 = arith.constant 0 : index
    %get3A_24 = arith.constant 0 : index
    %get3A_25 = vector.load %arg7[%get3A_23, %get3A_24] : memref<16x32xf32, #tpu.memory_space<vmem>>, vector<16x32xf32>
    %dot_general3A_26 = arith.constant dense<0.000000e+00> : vector<6400x32xf32>
    %dot_general3A_27 = tpu.matmul %reshape3A_22, %get3A_25, %dot_general3A_26 {dimension_numbers = #tpu.dot_dimension_numbers<[1], [0], [0], [1], [0, 0, 1, 1], [], []>, transpose_lhs_hint = false} : vector<6400x16xf32>, vector<16x32xf32>, vector<6400x32xf32> -> vector<6400x32xf32>
    %add3A_28 = arith.addf %add3A, %dot_general3A_27 : vector<6400x32xf32>
    %get3A_29 = arith.constant 0 : index
    %get3A_30 = arith.constant 0 : index
    %get3A_31 = vector.load %arg4[%get3A_29, %get3A_30] : memref<8x32xf32, #tpu.memory_space<vmem>>, vector<1x32xf32>
    %mul3A_32 = vector.broadcast %get3A_31 : vector<1x32xf32> to vector<6400x32xf32>
    %mul3A_33 = arith.mulf %add3A_28, %mul3A_32 : vector<6400x32xf32>
    %get3A_34 = arith.constant 1 : index
    %get3A_35 = arith.constant 0 : index
    %get3A_36 = vector.load %arg4[%get3A_34, %get3A_35] : memref<8x32xf32, #tpu.memory_space<vmem>>, vector<1x32xf32>
    %add3A_37 = vector.broadcast %get3A_36 : vector<1x32xf32> to vector<6400x32xf32>
    %add3A_38 = arith.addf %mul3A_33, %add3A_37 : vector<6400x32xf32>
    %ge3A = arith.constant 0.000000e+00 : f32
    %ge3A_39 = vector.broadcast %ge3A : f32 to vector<6400x32xf32>
    %ge3A_40 = arith.cmpf oge, %add3A_38, %ge3A_39 : vector<6400x32xf32>
    %mul3A_41 = arith.constant 2.000000e-01 : f32
    %mul3A_42 = vector.broadcast %mul3A_41 : f32 to vector<6400x32xf32>
    %mul3A_43 = arith.mulf %mul3A_42, %add3A_38 : vector<6400x32xf32>
    %select_n3A = arith.select %ge3A_40, %add3A_38, %mul3A_43 : vector<6400x32xi1>, vector<6400x32xf32>
    %get3A_44 = arith.constant 0 : index
    %get3A_45 = arith.constant 0 : index
    %get3A_46 = vector.load %arg8[%get3A_44, %get3A_45] : memref<32x32xf32, #tpu.memory_space<vmem>>, vector<32x32xf32>
    %dot_general3A_47 = arith.constant dense<0.000000e+00> : vector<6400x32xf32>
    %dot_general3A_48 = tpu.matmul %select_n3A, %get3A_46, %dot_general3A_47 {dimension_numbers = #tpu.dot_dimension_numbers<[1], [0], [0], [1], [0, 0, 1, 1], [], []>, transpose_lhs_hint = false} : vector<6400x32xf32>, vector<32x32xf32>, vector<6400x32xf32> -> vector<6400x32xf32>
    %get3A_49 = arith.constant 2 : index
    %get3A_50 = arith.constant 0 : index
    %get3A_51 = vector.load %arg4[%get3A_49, %get3A_50] : memref<8x32xf32, #tpu.memory_space<vmem>>, vector<1x32xf32>
    %mul3A_52 = vector.broadcast %get3A_51 : vector<1x32xf32> to vector<6400x32xf32>
    %mul3A_53 = arith.mulf %dot_general3A_48, %mul3A_52 : vector<6400x32xf32>
    %get3A_54 = arith.constant 3 : index
    %get3A_55 = arith.constant 0 : index
    %get3A_56 = vector.load %arg4[%get3A_54, %get3A_55] : memref<8x32xf32, #tpu.memory_space<vmem>>, vector<1x32xf32>
    %add3A_57 = vector.broadcast %get3A_56 : vector<1x32xf32> to vector<6400x32xf32>
    %add3A_58 = arith.addf %mul3A_53, %add3A_57 : vector<6400x32xf32>
    %ge3A_59 = arith.constant 0.000000e+00 : f32
    %ge3A_60 = vector.broadcast %ge3A_59 : f32 to vector<6400x32xf32>
    %ge3A_61 = arith.cmpf oge, %add3A_58, %ge3A_60 : vector<6400x32xf32>
    %mul3A_62 = arith.constant 2.000000e-01 : f32
    %mul3A_63 = vector.broadcast %mul3A_62 : f32 to vector<6400x32xf32>
    %mul3A_64 = arith.mulf %mul3A_63, %add3A_58 : vector<6400x32xf32>
    %select_n3A_65 = arith.select %ge3A_61, %add3A_58, %mul3A_64 : vector<6400x32xi1>, vector<6400x32xf32>
    %get3A_66 = arith.constant 0 : index
    %get3A_67 = arith.constant 0 : index
    %get3A_68 = arith.constant 0 : index
    %get3A_69 = vector.load %arg1[%get3A_66, %get3A_67, %get3A_68] : memref<16x400x32xf32, #tpu.memory_space<vmem>>, vector<16x400x32xf32>
    %reshape3A_70 = vector.shape_cast %get3A_69 : vector<16x400x32xf32> to vector<6400x32xf32>
    %concatenate3A = tpu.concatenate %reshape3A_70, %select_n3A_65 in 1 : vector<6400x32xf32>, vector<6400x32xf32> -> vector<6400x64xf32>
    %get3A_71 = arith.constant 0 : index
    %get3A_72 = arith.constant 0 : index
    %get3A_73 = vector.load %arg9[%get3A_71, %get3A_72] : memref<64x64xf32, #tpu.memory_space<vmem>>, vector<64x64xf32>
    %dot_general3A_74 = arith.constant dense<0.000000e+00> : vector<6400x64xf32>
    %dot_general3A_75 = tpu.matmul %concatenate3A, %get3A_73, %dot_general3A_74 {dimension_numbers = #tpu.dot_dimension_numbers<[1], [0], [0], [1], [0, 0, 1, 1], [], []>, transpose_lhs_hint = false} : vector<6400x64xf32>, vector<64x64xf32>, vector<6400x64xf32> -> vector<6400x64xf32>
    %reshape3A_76 = vector.shape_cast %dot_general3A_75 : vector<6400x64xf32> to vector<16x400x64xf32>
    %min3A = arith.constant 6.000000e+01 : f32
    %min3A_77 = vector.broadcast %min3A : f32 to vector<16x400x64xf32>
    %min3A_78 = arith.minimumf %reshape3A_76, %min3A_77 : vector<16x400x64xf32>
    %exp3A = math.exp %min3A_78 : vector<16x400x64xf32>
    %reduce_sum3A = arith.constant dense<0.000000e+00> : vector<400x64xf32>
    %reduce_sum3A_79 = vector.multi_reduction <add>, %exp3A, %reduce_sum3A [0] : vector<16x400x64xf32> to vector<400x64xf32>
    %reshape3A_80 = vector.shape_cast %concatenate3A : vector<6400x64xf32> to vector<16x400x64xf32>
    %mul3A_81 = arith.mulf %exp3A, %reshape3A_80 : vector<16x400x64xf32>
    %reduce_sum3A_82 = arith.constant dense<0.000000e+00> : vector<400x64xf32>
    %reduce_sum3A_83 = vector.multi_reduction <add>, %mul3A_81, %reduce_sum3A_82 [0] : vector<16x400x64xf32> to vector<400x64xf32>
    %div3A = arith.divf %reduce_sum3A_83, %reduce_sum3A_79 : vector<400x64xf32>
    %get3A_84 = arith.constant 0 : index
    %get3A_85 = arith.constant 0 : index
    %get3A_86 = vector.load %arg10[%get3A_84, %get3A_85] : memref<64x64xf32, #tpu.memory_space<vmem>>, vector<64x64xf32>
    %dot_general3A_87 = arith.constant dense<0.000000e+00> : vector<400x64xf32>
    %dot_general3A_88 = tpu.matmul %div3A, %get3A_86, %dot_general3A_87 {dimension_numbers = #tpu.dot_dimension_numbers<[1], [0], [0], [1], [0, 0, 1, 1], [], []>, transpose_lhs_hint = false} : vector<400x64xf32>, vector<64x64xf32>, vector<400x64xf32> -> vector<400x64xf32>
    %swap3A = arith.constant 0 : index
    %swap3A_89 = arith.constant 0 : index
    %swap3A_90 = vector.load %arg11[%swap3A, %swap3A_89] : memref<400x64xf32, #tpu.memory_space<vmem>>, vector<400x64xf32>
    tpu.vector_store %arg11[%swap3A, %swap3A_89], %dot_general3A_88 {strides = array<i32>} : memref<400x64xf32, #tpu.memory_space<vmem>>, vector<400x64xf32>,
    %eq3A = arith.constant 0 : i32
    %eq3A_91 = arith.cmpi eq, %arg0, %eq3A : i32
    %convert_element_type3A = arith.extui %eq3A_91 : i1 to i32
    %cond3A = arith.constant 0 : i32
    %cond3A_92 = arith.cmpi ne, %convert_element_type3A, %cond3A : i32
    scf.if %cond3A_92 {
      %broadcast_in_dim3A_114 = arith.constant 0.000000e+00 : f32
      %broadcast_in_dim3A_115 = vector.broadcast %broadcast_in_dim3A_114 : f32 to vector<8x64xf32>
      %swap3A_116 = arith.constant 0 : index
      %swap3A_117 = arith.constant 0 : index
      %swap3A_118 = vector.load %arg12[%swap3A_116, %swap3A_117] : memref<8x64xf32, #tpu.memory_space<vmem>>, vector<8x64xf32>
      tpu.vector_store %arg12[%swap3A_116, %swap3A_117], %broadcast_in_dim3A_115 {strides = array<i32>} : memref<8x64xf32, #tpu.memory_space<vmem>>, vector<8x64xf32>,
    } else {
    }
    %get3A_93 = arith.constant 0 : index
    %get3A_94 = arith.constant 0 : index
    %get3A_95 = vector.load %arg12[%get3A_93, %get3A_94] : memref<8x64xf32, #tpu.memory_space<vmem>>, vector<1x64xf32>
    %reduce_sum3A_96 = arith.constant dense<0.000000e+00> : vector<64xf32>
    %reduce_sum3A_97 = vector.multi_reduction <add>, %dot_general3A_88, %reduce_sum3A_96 [0] : vector<400x64xf32> to vector<64xf32>
    %broadcast_in_dim3A_98 = vector.shape_cast %reduce_sum3A_97 : vector<64xf32> to vector<1x64xf32>
    %add3A_99 = arith.addf %get3A_95, %broadcast_in_dim3A_98 : vector<1x64xf32>
    %swap3A_100 = arith.constant 0 : index
    %swap3A_101 = arith.constant 0 : index
    %swap3A_102 = vector.load %arg12[%swap3A_100, %swap3A_101] : memref<8x64xf32, #tpu.memory_space<vmem>>, vector<1x64xf32>
    tpu.vector_store %arg12[%swap3A_100, %swap3A_101], %add3A_99 {strides = array<i32>} : memref<8x64xf32, #tpu.memory_space<vmem>>, vector<1x64xf32>,
    %get3A_103 = arith.constant 1 : index
    %get3A_104 = arith.constant 0 : index
    %get3A_105 = vector.load %arg12[%get3A_103, %get3A_104] : memref<8x64xf32, #tpu.memory_space<vmem>>, vector<1x64xf32>
    %mul3A_106 = arith.mulf %dot_general3A_88, %dot_general3A_88 : vector<400x64xf32>
    %reduce_sum3A_107 = arith.constant dense<0.000000e+00> : vector<64xf32>
    %reduce_sum3A_108 = vector.multi_reduction <add>, %mul3A_106, %reduce_sum3A_107 [0] : vector<400x64xf32> to vector<64xf32>
    %broadcast_in_dim3A_109 = vector.shape_cast %reduce_sum3A_108 : vector<64xf32> to vector<1x64xf32>
    %add3A_110 = arith.addf %get3A_105, %broadcast_in_dim3A_109 : vector<1x64xf32>
    %swap3A_111 = arith.constant 1 : index
    %swap3A_112 = arith.constant 0 : index
    %swap3A_113 = vector.load %arg12[%swap3A_111, %swap3A_112] : memref<8x64xf32, #tpu.memory_space<vmem>>, vector<1x64xf32>
    tpu.vector_store %arg12[%swap3A_111, %swap3A_112], %add3A_110 {strides = array<i32>} : memref<8x64xf32, #tpu.memory_space<vmem>>, vector<1x64xf32>,
    return
  }
  func.func @transform_0(%arg0: i32) -> (i32, i32, i32) {
    %c0_i32 = arith.constant 0 : i32
    %c0_i32_0 = arith.constant 0 : i32
    %c0_i32_1 = arith.constant 0 : i32
    return %c0_i32, %arg0, %c0_i32_0 : i32, i32, i32
  }
  func.func @transform_1(%arg0: i32) -> (i32, i32, i32) {
    %c0_i32 = arith.constant 0 : i32
    %c0_i32_0 = arith.constant 0 : i32
    %c0_i32_1 = arith.constant 0 : i32
    return %c0_i32, %arg0, %c0_i32_0 : i32, i32, i32
  }
  func.func @transform_2(%arg0: i32) -> (i32, i32) {
    %c0_i32 = arith.constant 0 : i32
    %c0_i32_0 = arith.constant 0 : i32
    return %arg0, %c0_i32 : i32, i32
  }
  func.func @transform_3(%arg0: i32) -> (i32, i32) {
    %c0_i32 = arith.constant 0 : i32
    %c0_i32_0 = arith.constant 0 : i32
    %c0_i32_1 = arith.constant 0 : i32
    return %c0_i32, %c0_i32_0 : i32, i32
  }
  func.func @transform_4(%arg0: i32) -> (i32, i32) {
    %c0_i32 = arith.constant 0 : i32
    %c0_i32_0 = arith.constant 0 : i32
    %c0_i32_1 = arith.constant 0 : i32
    return %c0_i32, %c0_i32_0 : i32, i32
  }
  func.func @transform_5(%arg0: i32) -> (i32, i32) {
    %c0_i32 = arith.constant 0 : i32
    %c0_i32_0 = arith.constant 0 : i32
    %c0_i32_1 = arith.constant 0 : i32
    return %c0_i32, %c0_i32_0 : i32, i32
  }
  func.func @transform_6(%arg0: i32) -> (i32, i32) {
    %c0_i32 = arith.constant 0 : i32
    %c0_i32_0 = arith.constant 0 : i32
    %c0_i32_1 = arith.constant 0 : i32
    return %c0_i32, %c0_i32_0 : i32, i32
  }
  func.func @transform_7(%arg0: i32) -> (i32, i32) {
    %c0_i32 = arith.constant 0 : i32
    %c0_i32_0 = arith.constant 0 : i32
    %c0_i32_1 = arith.constant 0 : i32
    return %c0_i32, %c0_i32_0 : i32, i32
  }
  func.func @transform_8(%arg0: i32) -> (i32, i32) {
    %c0_i32 = arith.constant 0 : i32
    %c0_i32_0 = arith.constant 0 : i32
    %c0_i32_1 = arith.constant 0 : i32
    return %c0_i32, %c0_i32_0 : i32, i32
  }
  func.func @transform_9(%arg0: i32) -> (i32, i32) {
    %c0_i32 = arith.constant 0 : i32
    %c0_i32_0 = arith.constant 0 : i32
    %c0_i32_1 = arith.constant 0 : i32
    return %c0_i32, %c0_i32_0 : i32, i32
  }
  func.func @transform_10(%arg0: i32) -> (i32, i32) {
    %c0_i32 = arith.constant 0 : i32
    %c0_i32_0 = arith.constant 0 : i32
    return %arg0, %c0_i32 : i32, i32
  }
  func.func @transform_11(%arg0: i32) -> (i32, i32) {
    %c0_i32 = arith.constant 0 : i32
    %c0_i32_0 = arith.constant 0 : i32
    %c0_i32_1 = arith.constant 0 : i32
    return %c0_i32, %c0_i32_0 : i32, i32
  }
}

module attributes {stable_mosaic.version = 14 : i64} {
  func.func @body(%arg0: i32, %arg1: memref<1000x64xf32, #tpu.memory_space<vmem>>, %arg2: memref<8x64xf32, #tpu.memory_space<vmem>>, %arg3: memref<64x128xf32, #tpu.memory_space<vmem>>, %arg4: memref<8x128xf32, #tpu.memory_space<vmem>>) attributes {dimension_semantics = [#tpu.dimension_semantics<arbitrary>], iteration_bounds = array<i64: 50>, scalar_prefetch = 0 : i64, scratch_operands = 0 : i64, tpu.core_type = #tpu.core_type<tc>, window_params = [{transform_indices = @transform_0, window_bounds = array<i64: 1000, 64>}, {pipeline_mode = #tpu.pipeline_mode<synchronous>, transform_indices = @transform_1, window_bounds = array<i64: 8, 64>}, {pipeline_mode = #tpu.pipeline_mode<synchronous>, transform_indices = @transform_2, window_bounds = array<i64: 64, 128>}, {pipeline_mode = #tpu.pipeline_mode<synchronous>, transform_indices = @transform_3, window_bounds = array<i64: 8, 128>}]} {
    %get3A = arith.constant 0 : index
    %get3A_0 = arith.constant 0 : index
    %get3A_1 = vector.load %arg1[%get3A, %get3A_0] : memref<1000x64xf32, #tpu.memory_space<vmem>>, vector<1000x64xf32>
    %get3A_2 = arith.constant 0 : index
    %get3A_3 = arith.constant 0 : index
    %get3A_4 = vector.load %arg2[%get3A_2, %get3A_3] : memref<8x64xf32, #tpu.memory_space<vmem>>, vector<1x64xf32>
    %mul3A = vector.broadcast %get3A_4 : vector<1x64xf32> to vector<1000x64xf32>
    %mul3A_5 = arith.mulf %get3A_1, %mul3A : vector<1000x64xf32>
    %get3A_6 = arith.constant 1 : index
    %get3A_7 = arith.constant 0 : index
    %get3A_8 = vector.load %arg2[%get3A_6, %get3A_7] : memref<8x64xf32, #tpu.memory_space<vmem>>, vector<1x64xf32>
    %add3A = vector.broadcast %get3A_8 : vector<1x64xf32> to vector<1000x64xf32>
    %add3A_9 = arith.addf %mul3A_5, %add3A : vector<1000x64xf32>
    %ge3A = arith.constant 0.000000e+00 : f32
    %ge3A_10 = vector.broadcast %ge3A : f32 to vector<1000x64xf32>
    %ge3A_11 = arith.cmpf oge, %add3A_9, %ge3A_10 : vector<1000x64xf32>
    %mul3A_12 = arith.constant 2.000000e-01 : f32
    %mul3A_13 = vector.broadcast %mul3A_12 : f32 to vector<1000x64xf32>
    %mul3A_14 = arith.mulf %mul3A_13, %add3A_9 : vector<1000x64xf32>
    %select_n3A = arith.select %ge3A_11, %add3A_9, %mul3A_14 : vector<1000x64xi1>, vector<1000x64xf32>
    %get3A_15 = arith.constant 0 : index
    %get3A_16 = arith.constant 0 : index
    %get3A_17 = vector.load %arg3[%get3A_15, %get3A_16] : memref<64x128xf32, #tpu.memory_space<vmem>>, vector<64x128xf32>
    %dot_general3A = arith.constant dense<0.000000e+00> : vector<1000x128xf32>
    %dot_general3A_18 = tpu.matmul %select_n3A, %get3A_17, %dot_general3A {dimension_numbers = #tpu.dot_dimension_numbers<[1], [0], [0], [1], [0, 0, 1, 1], [], []>, transpose_lhs_hint = false} : vector<1000x64xf32>, vector<64x128xf32>, vector<1000x128xf32> -> vector<1000x128xf32>
    %eq3A = arith.constant 0 : i32
    %eq3A_19 = arith.cmpi eq, %arg0, %eq3A : i32
    %convert_element_type3A = arith.extui %eq3A_19 : i1 to i32
    %cond3A = arith.constant 0 : i32
    %cond3A_20 = arith.cmpi ne, %convert_element_type3A, %cond3A : i32
    scf.if %cond3A_20 {
      %broadcast_in_dim3A_39 = arith.constant 0.000000e+00 : f32
      %broadcast_in_dim3A_40 = vector.broadcast %broadcast_in_dim3A_39 : f32 to vector<8x128xf32>
      %swap3A_41 = arith.constant 0 : index
      %swap3A_42 = arith.constant 0 : index
      %swap3A_43 = vector.load %arg4[%swap3A_41, %swap3A_42] : memref<8x128xf32, #tpu.memory_space<vmem>>, vector<8x128xf32>
      tpu.vector_store %arg4[%swap3A_41, %swap3A_42], %broadcast_in_dim3A_40 {strides = array<i32>} : memref<8x128xf32, #tpu.memory_space<vmem>>, vector<8x128xf32>,
    } else {
    }
    %get3A_21 = arith.constant 0 : index
    %get3A_22 = arith.constant 0 : index
    %get3A_23 = vector.load %arg4[%get3A_21, %get3A_22] : memref<8x128xf32, #tpu.memory_space<vmem>>, vector<1x128xf32>
    %reduce_sum3A = arith.constant dense<0.000000e+00> : vector<128xf32>
    %reduce_sum3A_24 = vector.multi_reduction <add>, %dot_general3A_18, %reduce_sum3A [0] : vector<1000x128xf32> to vector<128xf32>
    %broadcast_in_dim3A = vector.shape_cast %reduce_sum3A_24 : vector<128xf32> to vector<1x128xf32>
    %add3A_25 = arith.addf %get3A_23, %broadcast_in_dim3A : vector<1x128xf32>
    %swap3A = arith.constant 0 : index
    %swap3A_26 = arith.constant 0 : index
    %swap3A_27 = vector.load %arg4[%swap3A, %swap3A_26] : memref<8x128xf32, #tpu.memory_space<vmem>>, vector<1x128xf32>
    tpu.vector_store %arg4[%swap3A, %swap3A_26], %add3A_25 {strides = array<i32>} : memref<8x128xf32, #tpu.memory_space<vmem>>, vector<1x128xf32>,
    %get3A_28 = arith.constant 1 : index
    %get3A_29 = arith.constant 0 : index
    %get3A_30 = vector.load %arg4[%get3A_28, %get3A_29] : memref<8x128xf32, #tpu.memory_space<vmem>>, vector<1x128xf32>
    %mul3A_31 = arith.mulf %dot_general3A_18, %dot_general3A_18 : vector<1000x128xf32>
    %reduce_sum3A_32 = arith.constant dense<0.000000e+00> : vector<128xf32>
    %reduce_sum3A_33 = vector.multi_reduction <add>, %mul3A_31, %reduce_sum3A_32 [0] : vector<1000x128xf32> to vector<128xf32>
    %broadcast_in_dim3A_34 = vector.shape_cast %reduce_sum3A_33 : vector<128xf32> to vector<1x128xf32>
    %add3A_35 = arith.addf %get3A_30, %broadcast_in_dim3A_34 : vector<1x128xf32>
    %swap3A_36 = arith.constant 1 : index
    %swap3A_37 = arith.constant 0 : index
    %swap3A_38 = vector.load %arg4[%swap3A_36, %swap3A_37] : memref<8x128xf32, #tpu.memory_space<vmem>>, vector<1x128xf32>
    tpu.vector_store %arg4[%swap3A_36, %swap3A_37], %add3A_35 {strides = array<i32>} : memref<8x128xf32, #tpu.memory_space<vmem>>, vector<1x128xf32>,
    return
  }
  func.func @transform_0(%arg0: i32) -> (i32, i32) {
    %c0_i32 = arith.constant 0 : i32
    %c0_i32_0 = arith.constant 0 : i32
    return %arg0, %c0_i32 : i32, i32
  }
  func.func @transform_1(%arg0: i32) -> (i32, i32) {
    %c0_i32 = arith.constant 0 : i32
    %c0_i32_0 = arith.constant 0 : i32
    %c0_i32_1 = arith.constant 0 : i32
    return %c0_i32, %c0_i32_0 : i32, i32
  }
  func.func @transform_2(%arg0: i32) -> (i32, i32) {
    %c0_i32 = arith.constant 0 : i32
    %c0_i32_0 = arith.constant 0 : i32
    %c0_i32_1 = arith.constant 0 : i32
    return %c0_i32, %c0_i32_0 : i32, i32
  }
  func.func @transform_3(%arg0: i32) -> (i32, i32) {
    %c0_i32 = arith.constant 0 : i32
    %c0_i32_0 = arith.constant 0 : i32
    %c0_i32_1 = arith.constant 0 : i32
    return %c0_i32, %c0_i32_0 : i32, i32
  }
}

module attributes {stable_mosaic.version = 14 : i64} {
  func.func @body(%arg0: i32, %arg1: memref<1000x64xf32, #tpu.memory_space<vmem>>, %arg2: memref<1000x32xf32, #tpu.memory_space<vmem>>, %arg3: memref<8x64xf32, #tpu.memory_space<vmem>>, %arg4: memref<8x128xf32, #tpu.memory_space<vmem>>, %arg5: memref<64x128xf32, #tpu.memory_space<vmem>>, %arg6: memref<32x128xf32, #tpu.memory_space<vmem>>, %arg7: memref<1000x128xf32, #tpu.memory_space<vmem>>) attributes {dimension_semantics = [#tpu.dimension_semantics<arbitrary>], iteration_bounds = array<i64: 50>, scalar_prefetch = 0 : i64, scratch_operands = 0 : i64, tpu.core_type = #tpu.core_type<tc>, window_params = [{transform_indices = @transform_0, window_bounds = array<i64: 1000, 64>}, {transform_indices = @transform_1, window_bounds = array<i64: 1000, 32>}, {pipeline_mode = #tpu.pipeline_mode<synchronous>, transform_indices = @transform_2, window_bounds = array<i64: 8, 64>}, {pipeline_mode = #tpu.pipeline_mode<synchronous>, transform_indices = @transform_3, window_bounds = array<i64: 8, 128>}, {pipeline_mode = #tpu.pipeline_mode<synchronous>, transform_indices = @transform_4, window_bounds = array<i64: 64, 128>}, {pipeline_mode = #tpu.pipeline_mode<synchronous>, transform_indices = @transform_5, window_bounds = array<i64: 32, 128>}, {transform_indices = @transform_6, window_bounds = array<i64: 1000, 128>}]} {
    %get3A = arith.constant 0 : index
    %get3A_0 = arith.constant 0 : index
    %get3A_1 = vector.load %arg1[%get3A, %get3A_0] : memref<1000x64xf32, #tpu.memory_space<vmem>>, vector<1000x64xf32>
    %get3A_2 = arith.constant 0 : index
    %get3A_3 = arith.constant 0 : index
    %get3A_4 = vector.load %arg3[%get3A_2, %get3A_3] : memref<8x64xf32, #tpu.memory_space<vmem>>, vector<1x64xf32>
    %mul3A = vector.broadcast %get3A_4 : vector<1x64xf32> to vector<1000x64xf32>
    %mul3A_5 = arith.mulf %get3A_1, %mul3A : vector<1000x64xf32>
    %get3A_6 = arith.constant 1 : index
    %get3A_7 = arith.constant 0 : index
    %get3A_8 = vector.load %arg3[%get3A_6, %get3A_7] : memref<8x64xf32, #tpu.memory_space<vmem>>, vector<1x64xf32>
    %add3A = vector.broadcast %get3A_8 : vector<1x64xf32> to vector<1000x64xf32>
    %add3A_9 = arith.addf %mul3A_5, %add3A : vector<1000x64xf32>
    %ge3A = arith.constant 0.000000e+00 : f32
    %ge3A_10 = vector.broadcast %ge3A : f32 to vector<1000x64xf32>
    %ge3A_11 = arith.cmpf oge, %add3A_9, %ge3A_10 : vector<1000x64xf32>
    %mul3A_12 = arith.constant 2.000000e-01 : f32
    %mul3A_13 = vector.broadcast %mul3A_12 : f32 to vector<1000x64xf32>
    %mul3A_14 = arith.mulf %mul3A_13, %add3A_9 : vector<1000x64xf32>
    %select_n3A = arith.select %ge3A_11, %add3A_9, %mul3A_14 : vector<1000x64xi1>, vector<1000x64xf32>
    %get3A_15 = arith.constant 0 : index
    %get3A_16 = arith.constant 0 : index
    %get3A_17 = vector.load %arg5[%get3A_15, %get3A_16] : memref<64x128xf32, #tpu.memory_space<vmem>>, vector<64x128xf32>
    %dot_general3A = arith.constant dense<0.000000e+00> : vector<1000x128xf32>
    %dot_general3A_18 = tpu.matmul %select_n3A, %get3A_17, %dot_general3A {dimension_numbers = #tpu.dot_dimension_numbers<[1], [0], [0], [1], [0, 0, 1, 1], [], []>, transpose_lhs_hint = false} : vector<1000x64xf32>, vector<64x128xf32>, vector<1000x128xf32> -> vector<1000x128xf32>
    %get3A_19 = arith.constant 0 : index
    %get3A_20 = arith.constant 0 : index
    %get3A_21 = vector.load %arg2[%get3A_19, %get3A_20] : memref<1000x32xf32, #tpu.memory_space<vmem>>, vector<1000x32xf32>
    %get3A_22 = arith.constant 0 : index
    %get3A_23 = arith.constant 0 : index
    %get3A_24 = vector.load %arg6[%get3A_22, %get3A_23] : memref<32x128xf32, #tpu.memory_space<vmem>>, vector<32x128xf32>
    %dot_general3A_25 = arith.constant dense<0.000000e+00> : vector<1000x128xf32>
    %dot_general3A_26 = tpu.matmul %get3A_21, %get3A_24, %dot_general3A_25 {dimension_numbers = #tpu.dot_dimension_numbers<[1], [0], [0], [1], [0, 0, 1, 1], [], []>, transpose_lhs_hint = false} : vector<1000x32xf32>, vector<32x128xf32>, vector<1000x128xf32> -> vector<1000x128xf32>
    %get3A_27 = arith.constant 0 : index
    %get3A_28 = arith.constant 0 : index
    %get3A_29 = vector.load %arg4[%get3A_27, %get3A_28] : memref<8x128xf32, #tpu.memory_space<vmem>>, vector<1x128xf32>
    %mul3A_30 = vector.broadcast %get3A_29 : vector<1x128xf32> to vector<1000x128xf32>
    %mul3A_31 = arith.mulf %mul3A_30, %dot_general3A_18 : vector<1000x128xf32>
    %get3A_32 = arith.constant 1 : index
    %get3A_33 = arith.constant 0 : index
    %get3A_34 = vector.load %arg4[%get3A_32, %get3A_33] : memref<8x128xf32, #tpu.memory_space<vmem>>, vector<1x128xf32>
    %add3A_35 = vector.broadcast %get3A_34 : vector<1x128xf32> to vector<1000x128xf32>
    %add3A_36 = arith.addf %mul3A_31, %add3A_35 : vector<1000x128xf32>
    %get3A_37 = arith.constant 2 : index
    %get3A_38 = arith.constant 0 : index
    %get3A_39 = vector.load %arg4[%get3A_37, %get3A_38] : memref<8x128xf32, #tpu.memory_space<vmem>>, vector<1x128xf32>
    %mul3A_40 = vector.broadcast %get3A_39 : vector<1x128xf32> to vector<1000x128xf32>
    %mul3A_41 = arith.mulf %mul3A_40, %dot_general3A_26 : vector<1000x128xf32>
    %add3A_42 = arith.addf %add3A_36, %mul3A_41 : vector<1000x128xf32>
    %get3A_43 = arith.constant 3 : index
    %get3A_44 = arith.constant 0 : index
    %get3A_45 = vector.load %arg4[%get3A_43, %get3A_44] : memref<8x128xf32, #tpu.memory_space<vmem>>, vector<1x128xf32>
    %add3A_46 = vector.broadcast %get3A_45 : vector<1x128xf32> to vector<1000x128xf32>
    %add3A_47 = arith.addf %add3A_42, %add3A_46 : vector<1000x128xf32>
    %ge3A_48 = arith.constant 0.000000e+00 : f32
    %ge3A_49 = vector.broadcast %ge3A_48 : f32 to vector<1000x128xf32>
    %ge3A_50 = arith.cmpf oge, %add3A_47, %ge3A_49 : vector<1000x128xf32>
    %mul3A_51 = arith.constant 2.000000e-01 : f32
    %mul3A_52 = vector.broadcast %mul3A_51 : f32 to vector<1000x128xf32>
    %mul3A_53 = arith.mulf %mul3A_52, %add3A_47 : vector<1000x128xf32>
    %select_n3A_54 = arith.select %ge3A_50, %add3A_47, %mul3A_53 : vector<1000x128xi1>, vector<1000x128xf32>
    %swap3A = arith.constant 0 : index
    %swap3A_55 = arith.constant 0 : index
    %swap3A_56 = vector.load %arg7[%swap3A, %swap3A_55] : memref<1000x128xf32, #tpu.memory_space<vmem>>, vector<1000x128xf32>
    tpu.vector_store %arg7[%swap3A, %swap3A_55], %select_n3A_54 {strides = array<i32>} : memref<1000x128xf32, #tpu.memory_space<vmem>>, vector<1000x128xf32>,
    return
  }
  func.func @transform_0(%arg0: i32) -> (i32, i32) {
    %c0_i32 = arith.constant 0 : i32
    %c0_i32_0 = arith.constant 0 : i32
    return %arg0, %c0_i32 : i32, i32
  }
  func.func @transform_1(%arg0: i32) -> (i32, i32) {
    %c0_i32 = arith.constant 0 : i32
    %c0_i32_0 = arith.constant 0 : i32
    return %arg0, %c0_i32 : i32, i32
  }
  func.func @transform_2(%arg0: i32) -> (i32, i32) {
    %c0_i32 = arith.constant 0 : i32
    %c0_i32_0 = arith.constant 0 : i32
    %c0_i32_1 = arith.constant 0 : i32
    return %c0_i32, %c0_i32_0 : i32, i32
  }
  func.func @transform_3(%arg0: i32) -> (i32, i32) {
    %c0_i32 = arith.constant 0 : i32
    %c0_i32_0 = arith.constant 0 : i32
    %c0_i32_1 = arith.constant 0 : i32
    return %c0_i32, %c0_i32_0 : i32, i32
  }
  func.func @transform_4(%arg0: i32) -> (i32, i32) {
    %c0_i32 = arith.constant 0 : i32
    %c0_i32_0 = arith.constant 0 : i32
    %c0_i32_1 = arith.constant 0 : i32
    return %c0_i32, %c0_i32_0 : i32, i32
  }
  func.func @transform_5(%arg0: i32) -> (i32, i32) {
    %c0_i32 = arith.constant 0 : i32
    %c0_i32_0 = arith.constant 0 : i32
    %c0_i32_1 = arith.constant 0 : i32
    return %c0_i32, %c0_i32_0 : i32, i32
  }
  func.func @transform_6(%arg0: i32) -> (i32, i32) {
    %c0_i32 = arith.constant 0 : i32
    %c0_i32_0 = arith.constant 0 : i32
    return %arg0, %c0_i32 : i32, i32
  }
}

</mosaic_0001>

<sc_bundles>
// kernel: kernel.13.cloned.1.call-start
scs
__scs_entry_jumppad:
0x0: {  	(pc) =	sbr.rel $0x88, $3  }
0x1: {  	(tag) =	ssettag $0x0;
	lr =	simm.s32 $0x1  }
0x2: {  	[smem:$0x3F87] =	sst lr;
	_ =	strace $0xD0000000  }
0x3: {  	_ = 	snop  }
0x4: {  	_ = 	snop  }
0x5: {  	_ = 	snop  }
0x6: {  	_ = 	snop  }
0x7: {  	_ = 	snop  }
__scs_overlays_trampoline_lowered:
0x8: {  	[smem:$0x3F96] =	sst s0  }
0x9: {  	[smem:$0x3F97] =	sst s1  }
0xa: {  	[smem:$0x3F98] =	sst s2  }
0xb: {  	[smem:$0x3F99] =	sst s3  }
0xc: {  	[smem:$0x3F9A] =	sst s4  }
0xd: {  	[smem:$0x3F9B] =	sst s5  }
0xe: {  	[smem:$0x3F9C] =	sst s6  }
0xf: {  	[smem:$0x3F9D] =	sst s7  }
0x10: {  	[smem:$0x3F9E] =	sst s8  }
0x11: {  	[smem:$0x3F9F] =	sst s9;
	s0 =	simm.s32 @!p0 $0x0  }
0x12: {  	s1 =	sld [smem:$0x3F85];
	s0 =	simm.s32 @p0 $0x1  }
0x13: {  	[smem:$0x3FA0] =	sst s0;
	s0 =	simm.s32 @!p1 $0x0  }
0x14: {  	s2 =	sld [smem:$0x3F84];
	s0 =	simm.s32 @p1 $0x1  }
0x15: {  	[smem:$0x3FA1] =	sst s0;
	s0 =	simm.s32 @!p2 $0x0  }
0x16: {  	s3 =	sld [smem:$0x3FDB];
	s0 =	simm.s32 @p2 $0x1  }
0x17: {  	s4 =	simm.s32 $0x1BF5;
	[smem:$0x3FA3] =	sst s0  }
0x18: {  	s0 =	sld [smem:$0x3F86];
	_ =	swait.ge [sflag:s4], $0x0  }
0x19: {  	s7 =	sld [smem:$0x3F87]  }
0x1a: {  	s8 =	sadd.s32 $0xFFFFE003, lr  }
0x1b: {  	s9 =	sadd.s32 $0xFFFFFEF7, lr;
	s5 =	simm.s32 $0xFFFFFFFF;
	p2 =	slt.u32 s8, $0xFFFFF086  }
0x1c: {  	p1 =	slt.u32 s9, $0xF7A;
	s5 =	simm.s32 @!p2 $0x0  }
0x1d: {  	s5 =	simm.s32 @p1 $0x1;
	p0 =	seq.s32 s7, s2  }
0x1e: {  	s7 =	smul.u32 @!p0 $0xF7A, s2;
	p2 =	seq.s32 @!p0 s5, $0x0  }
0x1f: {  	s9 =	smul.u32 $0xF7A, s1;
	s8 =	simm.s32 @!p0 $0x1BF5;
	p2 =	por !p2, p0  }
0x20: {  	[sflag:s8] =	ssyncset.s32 @!p0 $0xFFFFF086;
	s6 =	sadd.s32 @!p0 s3, s7;
	s7 =	simm.s32 @!p0 $0x108  }
0x21: {  	s3 =	sadd.s32 s3, s9;
	s6 =	sadd.s32 @!p0 $0x88, s6;
	s7 =	simm.s32 @p2 $0x1082  }
0x22: {  	[simem:s7], [sflag:s8] =	dma.local @!p0 [hbm:s6], $0xF7A  }
0x23: {  	s9 =	sor.u32 $0xD0000000, s2;
	s6 =	simm.s32 $0x108;
	_ =	swait.ge @!p0 [sflag:s8], $0x0  }
0x24: {  	s3 =	sadd.s32 $0x88, s3;
	s6 =	simm.s32 @!p1 $0x1082;
	[sflag:s4] =	ssyncset.s32 $0xFFFFF086  }
0x25: {  	[simem:s6], [sflag:s4] =	dma.local [hbm:s3], $0xF7A  }
0x26: {  	[smem:$0x3F87] =	sst s1;
	(tag) =	ssettag s2;
	_ =	strace s9  }
0x27: {  	s1 =	sld [smem:$0x3F97]  }
0x28: {  	s2 =	sld [smem:$0x3F98]  }
0x29: {  	s4 =	sld [smem:$0x3F9A]  }
0x2a: {  	p0 =	seq.s32 s5, $0x0;
	s5 =	sld [smem:$0x3F9B]  }
0x2b: {  	s6 =	sld [smem:$0x3F9C]  }
0x2c: {  	s7 =	sld [smem:$0x3F9D]  }
0x2d: {  	s3 =	simm.s32 $0x108;
	s8 =	sld [smem:$0x3F9E]  }
0x2e: {  	s3 =	simm.s32 @!p0 $0x1082;
	s9 =	sld [smem:$0x3F9F]  }
0x2f: {  	lr =	sadd.s32 s0, s3;
	s0 =	sld [smem:$0x3F96]  }
0x30: {  	s3 =	sld [smem:$0x3F99]  }
0x31: {  	[smem:$0x3FA2] =	sst s10  }
0x32: {  	s10 =	sld [smem:$0x3FA0];
	_ =	sdelay $0x3  }
0x33: {  	p0 =	seq.s32 s10, $0x1;
	s10 =	sld [smem:$0x3FA2];
	_ =	sdelay $0x3  }
0x34: {  	[smem:$0x3FA2] =	sst s10  }
0x35: {  	s10 =	sld [smem:$0x3FA1];
	_ =	sdelay $0x3  }
0x36: {  	p1 =	seq.s32 s10, $0x1;
	s10 =	sld [smem:$0x3FA2];
	_ =	sdelay $0x3  }
0x37: {  	[smem:$0x3FA2] =	sst s10  }
0x38: {  	s10 =	sld [smem:$0x3FA3]  }
0x39: {  	_ = 	snop;
	(pc) =	sbr.ind lr, $3  }
0x3a: {  	_ = 	snop  }
0x3b: {  	_ = 	snop  }
0x3c: {  	p2 =	seq.s32 s10, $0x1;
	s10 =	sld [smem:$0x3FA2]  }
0x3d: {  	_ =	shalt  }
0x3e: {  	_ =	shalt  }
0x3f: {  	_ =	shalt  }
0x40: {  	_ =	shalt  }
0x41: {  	_ =	shalt  }
0x42: {  	_ =	shalt  }
0x43: {  	_ =	shalt  }
0x44: {  	_ =	shalt  }
0x45: {  	_ =	shalt  }
0x46: {  	_ =	shalt  }
0x47: {  	_ =	shalt  }
0x48: {  	_ =	shalt  }
0x49: {  	_ =	shalt  }
0x4a: {  	_ =	shalt  }
0x4b: {  	_ =	shalt  }
0x4c: {  	_ =	shalt  }
0x4d: {  	_ =	shalt  }
0x4e: {  	_ =	shalt  }
0x4f: {  	_ =	shalt  }
0x50: {  	_ =	shalt  }
0x51: {  	_ =	shalt  }
0x52: {  	_ =	shalt  }
0x53: {  	_ =	shalt  }
0x54: {  	_ =	shalt  }
0x55: {  	_ =	shalt  }
0x56: {  	_ =	shalt  }
0x57: {  	_ =	shalt  }
0x58: {  	_ =	shalt  }
0x59: {  	_ =	shalt  }
0x5a: {  	_ =	shalt  }
0x5b: {  	_ =	shalt  }
0x5c: {  	_ =	shalt  }
0x5d: {  	_ =	shalt  }
0x5e: {  	_ =	shalt  }
0x5f: {  	_ =	shalt  }
0x60: {  	_ =	shalt  }
0x61: {  	_ =	shalt  }
0x62: {  	_ =	shalt  }
0x63: {  	_ =	shalt  }
0x64: {  	_ =	shalt  }
0x65: {  	_ =	shalt  }
0x66: {  	_ =	shalt  }
0x67: {  	_ =	shalt  }
0x68: {  	_ =	shalt  }
0x69: {  	_ =	shalt  }
0x6a: {  	_ =	shalt  }
0x6b: {  	_ =	shalt  }
0x6c: {  	_ =	shalt  }
0x6d: {  	_ =	shalt  }
0x6e: {  	_ =	shalt  }
0x6f: {  	_ =	shalt  }
0x70: {  	_ =	shalt  }
0x71: {  	_ =	shalt  }
0x72: {  	_ =	shalt  }
0x73: {  	_ =	shalt  }
0x74: {  	_ =	shalt  }
0x75: {  	_ =	shalt  }
0x76: {  	_ =	shalt  }
0x77: {  	_ =	shalt  }
0x78: {  	_ =	shalt  }
0x79: {  	_ =	shalt  }
0x7a: {  	_ =	shalt  }
0x7b: {  	_ =	shalt  }
0x7c: {  	_ =	shalt  }
0x7d: {  	_ =	shalt  }
0x7e: {  	_ =	shalt  }
0x7f: {  	_ =	shalt  }
0x80: {  	_ =	shalt  }
0x81: {  	_ =	shalt  }
0x82: {  	_ =	shalt  }
0x83: {  	_ =	shalt  }
0x84: {  	_ =	shalt  }
0x85: {  	_ =	shalt  }
0x86: {  	_ =	shalt  }
0x87: {  	_ =	shalt  }
.Lfunc_end0:
.L_simem_size_0:
called_computation_lowered:
.L_overlay_start_0:
0x88: {  	s2 =	sld [smem:$0x3FD9]  }
0x89: {  	s3 =	sld [smem:$0x3FFE];
	_ =	sdelay $0x1  }
0x8a: {  	s1 =	srdreg.scid  }
0x8b: {  	s0 =	sand.u32 $0x1, s1  }
0x8c: {  	s17 =	sshll.u32 s0, $0xA;
	s2 =	sadd.s32 s3, s2  }
0x8d: {  	s2 =	sadd.s32 s2, s17  }
0x8e: {  	[smem:$0x3FAE] =	sst s2  }
0x8f: {  	_ = 	snop  }
0x90: {  	(tm) =	ssettm $0x1  }
0x91: {  	s18 =	sld [smem:$0x3FFB];
	_ =	sdelay $0x3  }
0x92: {  	_ =	strace s18  }
0x93: {  	s2 =	sld [smem:$0x3FFC];
	_ =	sdelay $0x3  }
0x94: {  	_ =	strace s2  }
0x95: {  	s2 =	sld [smem:$0x3FFD];
	_ =	sdelay $0x3  }
0x96: {  	_ =	strace s2  }
0x97: {  	_ =	strace $0x8FFFFFFF  }
0x98: {  	s19 =	sld [smem:$0x3FDB];
	_ =	sdelay $0x1  }
0x99: {  	s20 =	simm.s32 $_scs_section_size  }
0x9a: {  	s4 =	simm.s32 $_size__tile_overlayer_lowered;
	s5 =	simm.s32 $_tile_overlayer_lowered  }
0x9b: {  	s6 =	simm.s32 $0x1BFF;
	s21 =	sshll.u32 s5, $0x1;
	s3 =	sadd.s32 s20, s19  }
0x9c: {  	s22 =	simm.s32 $0x0;
	s4 =	sshll.u32 s4, $0x1;
	s5 =	sadd.s32 s21, s3  }
0x9d: {  	[timem:s22], [sflag:s6] =	dma.local [hbm:s5], s4  }
0x9e: {  	_ =	swait.ge [sflag:s6], s4  }
0x9f: {  	s4 =	ssub.s32 $0x0, s4;
	[sflag:s6] =	ssyncset.done $0x0  }
0xa0: {  	[sflag:s6] =	ssyncadd.s32 s4;
	_ =	sdelay $0x1  }
0xa1: {  	s23 =	simm.s32 $0x1B8B  }
0xa2: {  	_ =	swait.ge [sflag:s23], $0x1  }
0xa3: {  	[sflag:s23] =	ssyncset.done $0x0  }
0xa4: {  	[sflag:s23] =	ssyncadd.s32 $0xFFFFFFFF  }
0xa5: {  	s4 =	sld [smem:$0x0]  }
0xa6: {  	s5 =	sand.u32 $0xFFFFFFFE, s1  }
0xa7: {  	p0 =	sne.s32 s1, s5  }
0xa8: {  	s5 =	sshll.u32 @p0 s5, $0xE  }
0xa9: {  	s5 =	sadd.s32 @p0 $0x11B8D, s5;
	s6 =	sshll.u32 @p0 s4, $0x11  }
0xaa: {  	s5 =	sor.u32 @p0 s6, s5  }
0xab: {  	[sflag:s5] =	ssyncadd.remote.s32 @p0 $0x1;
	_ =	sdelay $0x1  }
0xac: {  	s5 =	simm.s32 @p0 $0x1B8D  }
0xad: {  	_ =	swait.eq @p0 [sflag:s5], $0x1  }
0xae: {  	[sflag:s5] =	ssyncadd.s32 @p0 $0xFFFFFFFF  }
0xaf: {  	s6 =	sshll.u32 @!p0 s1, $0xE  }
0xb0: {  	s6 =	sor.u32 @!p0 $0x4000, s6;
	s5 =	simm.s32 @!p0 $0x1B8D  }
0xb1: {  	s4 =	sshll.u32 @!p0 s4, $0x11;
	s6 =	sadd.s32 @!p0 $0x11B8D, s6;
	_ =	swait.eq @!p0 [sflag:s5], $0x1  }
0xb2: {  	s4 =	sor.u32 @!p0 s4, s6;
	[sflag:s5] =	ssyncadd.s32 @!p0 $0xFFFFFFFF  }
0xb3: {  	s25 =	simm.s32 $0x1B8E;
	s24 =	sld [smem:$0x3FFE];
	[sflag:s4] =	ssyncadd.remote.s32 @!p0 $0x1  }
0xb4: {  	s26 =	simm.s32 $execute0_lowered;
	[smem:$0x3FD2] =	sst s25  }
0xb5: {  	s5 =	sshll.u32 s26, $0x1;
	_ =	strace $0x80000049;
	[dreg:$0x1] =	wrdreg $0xFFFFFFFF  }
0xb6: {  	s28 =	simm.s32 $_size_execute0_lowered;
	s3 =	sadd.s32 s3, s5;
	[dreg:$0x0] =	wrdreg $0x0  }
0xb7: {  	s5 =	sshll.u32 s28, $0x1;
	[dreg:$0x2] =	wrdreg s3  }
0xb8: {  	[dreg:$0x3] =	wrdreg s5  }
0xb9: {  	[dreg:$0x4] =	wrdreg $0xC0  }
0xba: {  	_ =	task [dreg:s22], $0x5FFFF  }
0xbb: {  	[dreg:$0x1] =	wrdreg $0xFFFFFFFF  }
0xbc: {  	[dreg:$0x0] =	wrdreg $0x60  }
0xbd: {  	[dreg:$0x2] =	wrdreg s24  }
0xbe: {  	[dreg:$0x3] =	wrdreg $0x9  }
0xbf: {  	_ =	task.clear_ibuf [dreg:s22], $0x4FFFF;
	_ =	strace $0x90000049  }
0xc0: {  	s29 =	simm.s32 $0x9;
	_ =	strace $0x8000004B  }
0xc1: {  	_ =	swait.ge [sflag:s29], $0x1  }
0xc2: {  	[sflag:s29] =	ssyncadd.s32 $0xFFFFFFFF  }
0xc3: {  	_ =	strace $0x9000004B  }
0xc4: {  	_ =	sfence  }
0xc5: {  	s30 =	sld [smem:$0x0];
	_ =	sdelay $0x2  }
0xc6: {  	s31 =	sshll.u32 s1, $0xD;
	s1 =	sshrl.u32 s1, $0x2  }
0xc7: {  	s4 =	sand.u32 $0x4000, s31;
	s1 =	sadd.s32 s1, s30  }
0xc8: {  	s0 =	sor.u32 s4, s0;
	s1 =	sshll.u32 s1, $0x11  }
0xc9: {  	s0 =	sor.u32 s1, s0  }
0xca: {  	s0 =	sadd.s32 $0x8F2B, s0  }
0xcb: {  	[sflag:s0] =	ssyncadd.remote.s32 $0x1  }
0xcc: {  	_ =	sfence.sel $0xFFFF  }
0xcd: {  	[dreg:$0x0] =	wrdreg $0xFFFFFFFF;
	(pc) =	sbr.abs _section_cstart, $3  }
0xce: {  	[dreg:$0x1] =	wrdreg $0xFFFFFFFF  }
0xcf: {  	_ =	task.clear_ibuf [dreg:s22], $0x2FFFF;
	_ =	strace $0x9FFFFFFF  }
0xd0: {  	(tm) =	ssettm $0x7FFFFFFF  }
0xd1: {  	_ =	shalt  }
tec
execute0_lowered:
.L_overlay_start_1:
0x0: {  	(tag) =	ssettag $0x1  }
0x1: {  	s1 =	srdreg.scid;
	s0 =	stileid.u32  }
0x2: {  	s6 =	rddreg [dreg:$0x0];
	s2 =	simm.s32 $0x0;
	s10 =	simm.s32 $0x3E8  }
0x3: {  	s11 =	simm.s32 $0x7D0;
	s12 =	simm.s32 $0x3;
	s13 =	simm.s32 $0x0  }
0x4: {  	s5 =	sand.u32 $0x1, s1;
	s3 =	sshll.u32 s0, $0x1;
	s1 =	rddreg [dreg:$0x1]  }
.Ltmp0:
0x5: {  	[smem:$0x7FF] =	sst s2;
	s3 =	sor.u32 s5, s3;
	(pc) =	sbr.rel .LBB2_1-.Ltmp0, $4  }
0x6: {  	s4 =	sadd.s32 $0x421A00, s6;
	s7 =	ssub.s32 $0x2, s5;
	s3 =	smul.u32 $0x61A8, s3  }
0x7: {  	_ =	strace $0x8000004A;
	s5 =	sadd.s32 $0xFBE00, s6;
	s8 =	sshrl.u32 s7, $0x1  }
0x8: {  	s6 =	sadd.s32 $0x43A200, s6;
	s8 =	ssub.s32 s7, s8;
	s9 =	sshrl.u32 s3, $0x3  }
0x9: {  	s8 =	smax.u32 s8, $0x1;
	s7 =	sadd.s32 s5, s9;
	s9 =	simm.s32 $0x1  }
.LBB2_5:
0xa: {  	s13 =	sadd.s32 $0x1, s13  }
0xb: {  	p0 =	sne.s32 s13, s8  }
.Ltmp1:
0xc: {  	_ = 	snop;
	(pc) =	sbr.rel @!p0 .LBB2_6-.Ltmp1, $4  }
0xd: {  	_ = 	snop  }
0xe: {  	_ =	swait.ge [sflag:s12], $0x3E80  }
0xf: {  	[sflag:s12] =	ssyncset.done $0x0  }
0x10: {  	[sflag:s12] =	ssyncadd.s32 $0xFFFFC180  }
.LBB2_1:
0x11: {  	[tilespmem:s2], [sflag:$0x1] =	stream.linear.gather [hbm4b:s7+s2], $0x3E8, $0x38;
	[tilespmem:$0x84D0] =	vst v63  }
.Ltmp2:
0x12: {  	_ = 	snop;
	(pc) =	sbr.rel .LBB2_2-.Ltmp2, $4  }
0x13: {  	_ =	swait.ge [sflag:s9], $0x3E8  }
0x14: {  	[sflag:s9] =	ssyncset.done $0x0  }
0x15: {  	s14 =	simm.s32 $0x0;
	[sflag:s9] =	ssyncadd.s32 $0xFFFFFC18  }
0x16: {  	[tilespmem:s11], [sflag:$0x1] =	stream.indirect.gather [hbm4b:s4+s10], $0x10, s2, s10, $0xb8;
	[tilespmem:$0x84D0] =	vst v63  }
.LBB2_4:
0x17: {  	s14 =	smul.u32 $0x3E8, s14  }
0x18: {  	s17 =	sadd.s32 $0x1, s16  }
0x19: {  	s31 =	smul.u32 $0xFA00, s16;
	p0 =	slt.u32 s15, $0x19;
	s14 =	sadd.s32 s3, s14  }
.Ltmp3:
0x1a: {  	_ =	swait.ge [sflag:s17], $0x3E80;
	s14 =	sshll.u32 s14, $0x1;
	(pc) =	sbr.rel @!p0 .LBB2_5-.Ltmp3, $4  }
0x1b: {  	[sflag:s17] =	ssyncset.done $0x0;
	s16 =	sshrl.u32 s31, $0x2;
	s14 =	sand.u32 $0x1FFFFFF0, s14  }
0x1c: {  	[sflag:s17] =	ssyncadd.s32 $0xFFFFC180;
	s16 =	sadd.s32 $0x7D0, s16;
	s14 =	sadd.s32 s6, s14  }
0x1d: {  	[hbm4b:s14+s2] =	stream.linear.scatter [tilespmem:s16], [sflag:$0x3], $0x3E80, $0x38;
	[tilespmem:$0x84D0] =	vst v63  }
0x1e: {  	s14 =	smov.u32 s15  }
.LBB2_2:
0x1f: {  	p0 =	seq.s32 s14, $0x0  }
0x20: {  	p1 =	seq.s32 @!p0 s14, $0x18  }
0x21: {  	p1 =	por p0, !p1  }
.Ltmp4:
0x22: {  	_ = 	snop;
	(pc) =	sbr.rel @!p1 .LBB2_4-.Ltmp4, $4  }
0x23: {  	s15 =	simm.s32 @!p0 $0x3  }
0x24: {  	_ =	swait.ge @!p0 [sflag:s15], $0x3E80  }
0x25: {  	[sflag:s15] =	ssyncset.done @!p0 $0x0  }
0x26: {  	s16 =	sand.u32 $0x1, s14;
	[sflag:s15] =	ssyncadd.s32 @!p0 $0xFFFFC180;
	s15 =	simm.s32 @!p0 $0x19  }
0x27: {  	s15 =	sadd.s32 @!p0 $0x1, s14  }
0x28: {  	s15 =	simm.s32 @p0 $0x1  }
0x29: {  	s17 =	smul.u32 $0x3E8, s15  }
0x2a: {  	s18 =	sxor.u32 $0x1, s16  }
0x2b: {  	s19 =	smul.u32 $0xFA0, s18;
	s17 =	sadd.s32 s3, s17  }
0x2c: {  	s20 =	sadd.s32 $0x1, s18;
	s17 =	sshrl.u32 s17, $0x3  }
0x2d: {  	s31 =	smul.u32 $0xFA00, s18;
	s19 =	sshrl.u32 s19, $0x2;
	s17 =	sadd.s32 s5, s17  }
0x2e: {  	[tilespmem:s19], [sflag:s20] =	stream.linear.gather [hbm4b:s17+s2], $0x3E8, $0x38;
	[tilespmem:$0x84D0] =	vst v63  }
.Ltmp5:
0x2f: {  	_ = 	snop;
	(pc) =	sbr.rel .LBB2_4-.Ltmp5, $4  }
0x30: {  	_ =	swait.ge [sflag:s20], $0x3E8  }
0x31: {  	s17 =	sshrl.u32 s31, $0x2;
	[sflag:s20] =	ssyncset.done $0x0  }
0x32: {  	s17 =	sadd.s32 $0x7D0, s17;
	[sflag:s20] =	ssyncadd.s32 $0xFFFFFC18  }
0x33: {  	[tilespmem:s17], [sflag:s20] =	stream.indirect.gather [hbm4b:s4+s10], $0x10, s19, s10, $0xb8;
	[tilespmem:$0x84D0] =	vst v63  }
.LBB2_6:
0x34: {  	_ =	sfence.sel $0x180000  }
0x35: {  	[bflag:$0x0] =	sbarrier.arrive $0xFFFF  }
0x36: {  	p0 =	sne.s32 s0, $0x0;
	_ =	strace $0x9000004A  }
0x37: {  	s0 =	sadd.s32 @!p0 $0x100000, s1;
	[bflag:$0x2] =	sbarrier.arrive $0xFFFF  }
0x38: {  	[sflag:s0] =	ssyncadd.tile.s32 @!p0 $0x1;
	_ =	shalt  }
.Lfunc_end2:
_tile_overlayer_lowered:
.L_overlay_start_2:
0x39: {  	(tag) =	ssettag $0x2  }
0x3a: {  	s0 =	rddreg [dreg:$0x0];
	s2 =	stileid.u32  }
0x3b: {  	s1 =	rddreg [dreg:$0x1];
	p0 =	sne.s32 s2, $0x0  }
0x3c: {  	s3 =	rddreg [dreg:$0x2];
	[bflag:$0x3] =	sbarrier.arrive $0xFFFF;
	s2 =	simm.s32 @!p0 $0x1C04  }
0x3d: {  	[timem:s3], [sflag:s2] =	dma.local @!p0 [hbm:s0], s1  }
0x3e: {  	s0 =	simm.s32 @!p0 $0x4  }
0x3f: {  	_ =	swait.ge @!p0 [sflag:s0], s1  }
0x40: {  	s1 =	ssub.s32 @!p0 $0x0, s1;
	[sflag:s0] =	ssyncset.done @!p0 $0x0  }
0x41: {  	[sflag:s0] =	ssyncadd.s32 @!p0 s1  }
0x42: {  	[bflag:$0x3] =	sbarrier.arrive $0xFFFF  }
0x43: {  	_ =	shalt  }

// kernel: kernel.16.cloned.1.call-start
scs
__scs_entry_jumppad:
0x0: {  	(pc) =	sbr.rel $0x88, $3  }
0x1: {  	(tag) =	ssettag $0x0;
	lr =	simm.s32 $0x1  }
0x2: {  	[smem:$0x3F87] =	sst lr;
	_ =	strace $0xD0000000  }
0x3: {  	_ = 	snop  }
0x4: {  	_ = 	snop  }
0x5: {  	_ = 	snop  }
0x6: {  	_ = 	snop  }
0x7: {  	_ = 	snop  }
__scs_overlays_trampoline_lowered:
0x8: {  	[smem:$0x3F96] =	sst s0  }
0x9: {  	[smem:$0x3F97] =	sst s1  }
0xa: {  	[smem:$0x3F98] =	sst s2  }
0xb: {  	[smem:$0x3F99] =	sst s3  }
0xc: {  	[smem:$0x3F9A] =	sst s4  }
0xd: {  	[smem:$0x3F9B] =	sst s5  }
0xe: {  	[smem:$0x3F9C] =	sst s6  }
0xf: {  	[smem:$0x3F9D] =	sst s7  }
0x10: {  	[smem:$0x3F9E] =	sst s8  }
0x11: {  	[smem:$0x3F9F] =	sst s9;
	s0 =	simm.s32 @!p0 $0x0  }
0x12: {  	s1 =	sld [smem:$0x3F85];
	s0 =	simm.s32 @p0 $0x1  }
0x13: {  	[smem:$0x3FA0] =	sst s0;
	s0 =	simm.s32 @!p1 $0x0  }
0x14: {  	s2 =	sld [smem:$0x3F84];
	s0 =	simm.s32 @p1 $0x1  }
0x15: {  	[smem:$0x3FA1] =	sst s0;
	s0 =	simm.s32 @!p2 $0x0  }
0x16: {  	s3 =	sld [smem:$0x3FDB];
	s0 =	simm.s32 @p2 $0x1  }
0x17: {  	s4 =	simm.s32 $0x1BF5;
	[smem:$0x3FA3] =	sst s0  }
0x18: {  	s0 =	sld [smem:$0x3F86];
	_ =	swait.ge [sflag:s4], $0x0  }
0x19: {  	s7 =	sld [smem:$0x3F87]  }
0x1a: {  	s8 =	sadd.s32 $0xFFFFE003, lr  }
0x1b: {  	s9 =	sadd.s32 $0xFFFFFEF7, lr;
	s5 =	simm.s32 $0xFFFFFFFF;
	p2 =	slt.u32 s8, $0xFFFFF086  }
0x1c: {  	p1 =	slt.u32 s9, $0xF7A;
	s5 =	simm.s32 @!p2 $0x0  }
0x1d: {  	s5 =	simm.s32 @p1 $0x1;
	p0 =	seq.s32 s7, s2  }
0x1e: {  	s7 =	smul.u32 @!p0 $0xF7A, s2;
	p2 =	seq.s32 @!p0 s5, $0x0  }
0x1f: {  	s9 =	smul.u32 $0xF7A, s1;
	s8 =	simm.s32 @!p0 $0x1BF5;
	p2 =	por !p2, p0  }
0x20: {  	[sflag:s8] =	ssyncset.s32 @!p0 $0xFFFFF086;
	s6 =	sadd.s32 @!p0 s3, s7;
	s7 =	simm.s32 @!p0 $0x108  }
0x21: {  	s3 =	sadd.s32 s3, s9;
	s6 =	sadd.s32 @!p0 $0x88, s6;
	s7 =	simm.s32 @p2 $0x1082  }
0x22: {  	[simem:s7], [sflag:s8] =	dma.local @!p0 [hbm:s6], $0xF7A  }
0x23: {  	s9 =	sor.u32 $0xD0000000, s2;
	s6 =	simm.s32 $0x108;
	_ =	swait.ge @!p0 [sflag:s8], $0x0  }
0x24: {  	s3 =	sadd.s32 $0x88, s3;
	s6 =	simm.s32 @!p1 $0x1082;
	[sflag:s4] =	ssyncset.s32 $0xFFFFF086  }
0x25: {  	[simem:s6], [sflag:s4] =	dma.local [hbm:s3], $0xF7A  }
0x26: {  	[smem:$0x3F87] =	sst s1;
	(tag) =	ssettag s2;
	_ =	strace s9  }
0x27: {  	s1 =	sld [smem:$0x3F97]  }
0x28: {  	s2 =	sld [smem:$0x3F98]  }
0x29: {  	s4 =	sld [smem:$0x3F9A]  }
0x2a: {  	p0 =	seq.s32 s5, $0x0;
	s5 =	sld [smem:$0x3F9B]  }
0x2b: {  	s6 =	sld [smem:$0x3F9C]  }
0x2c: {  	s7 =	sld [smem:$0x3F9D]  }
0x2d: {  	s3 =	simm.s32 $0x108;
	s8 =	sld [smem:$0x3F9E]  }
0x2e: {  	s3 =	simm.s32 @!p0 $0x1082;
	s9 =	sld [smem:$0x3F9F]  }
0x2f: {  	lr =	sadd.s32 s0, s3;
	s0 =	sld [smem:$0x3F96]  }
0x30: {  	s3 =	sld [smem:$0x3F99]  }
0x31: {  	[smem:$0x3FA2] =	sst s10  }
0x32: {  	s10 =	sld [smem:$0x3FA0];
	_ =	sdelay $0x3  }
0x33: {  	p0 =	seq.s32 s10, $0x1;
	s10 =	sld [smem:$0x3FA2];
	_ =	sdelay $0x3  }
0x34: {  	[smem:$0x3FA2] =	sst s10  }
0x35: {  	s10 =	sld [smem:$0x3FA1];
	_ =	sdelay $0x3  }
0x36: {  	p1 =	seq.s32 s10, $0x1;
	s10 =	sld [smem:$0x3FA2];
	_ =	sdelay $0x3  }
0x37: {  	[smem:$0x3FA2] =	sst s10  }
0x38: {  	s10 =	sld [smem:$0x3FA3]  }
0x39: {  	_ = 	snop;
	(pc) =	sbr.ind lr, $3  }
0x3a: {  	_ = 	snop  }
0x3b: {  	_ = 	snop  }
0x3c: {  	p2 =	seq.s32 s10, $0x1;
	s10 =	sld [smem:$0x3FA2]  }
0x3d: {  	_ =	shalt  }
0x3e: {  	_ =	shalt  }
0x3f: {  	_ =	shalt  }
0x40: {  	_ =	shalt  }
0x41: {  	_ =	shalt  }
0x42: {  	_ =	shalt  }
0x43: {  	_ =	shalt  }
0x44: {  	_ =	shalt  }
0x45: {  	_ =	shalt  }
0x46: {  	_ =	shalt  }
0x47: {  	_ =	shalt  }
0x48: {  	_ =	shalt  }
0x49: {  	_ =	shalt  }
0x4a: {  	_ =	shalt  }
0x4b: {  	_ =	shalt  }
0x4c: {  	_ =	shalt  }
0x4d: {  	_ =	shalt  }
0x4e: {  	_ =	shalt  }
0x4f: {  	_ =	shalt  }
0x50: {  	_ =	shalt  }
0x51: {  	_ =	shalt  }
0x52: {  	_ =	shalt  }
0x53: {  	_ =	shalt  }
0x54: {  	_ =	shalt  }
0x55: {  	_ =	shalt  }
0x56: {  	_ =	shalt  }
0x57: {  	_ =	shalt  }
0x58: {  	_ =	shalt  }
0x59: {  	_ =	shalt  }
0x5a: {  	_ =	shalt  }
0x5b: {  	_ =	shalt  }
0x5c: {  	_ =	shalt  }
0x5d: {  	_ =	shalt  }
0x5e: {  	_ =	shalt  }
0x5f: {  	_ =	shalt  }
0x60: {  	_ =	shalt  }
0x61: {  	_ =	shalt  }
0x62: {  	_ =	shalt  }
0x63: {  	_ =	shalt  }
0x64: {  	_ =	shalt  }
0x65: {  	_ =	shalt  }
0x66: {  	_ =	shalt  }
0x67: {  	_ =	shalt  }
0x68: {  	_ =	shalt  }
0x69: {  	_ =	shalt  }
0x6a: {  	_ =	shalt  }
0x6b: {  	_ =	shalt  }
0x6c: {  	_ =	shalt  }
0x6d: {  	_ =	shalt  }
0x6e: {  	_ =	shalt  }
0x6f: {  	_ =	shalt  }
0x70: {  	_ =	shalt  }
0x71: {  	_ =	shalt  }
0x72: {  	_ =	shalt  }
0x73: {  	_ =	shalt  }
0x74: {  	_ =	shalt  }
0x75: {  	_ =	shalt  }
0x76: {  	_ =	shalt  }
0x77: {  	_ =	shalt  }
0x78: {  	_ =	shalt  }
0x79: {  	_ =	shalt  }
0x7a: {  	_ =	shalt  }
0x7b: {  	_ =	shalt  }
0x7c: {  	_ =	shalt  }
0x7d: {  	_ =	shalt  }
0x7e: {  	_ =	shalt  }
0x7f: {  	_ =	shalt  }
0x80: {  	_ =	shalt  }
0x81: {  	_ =	shalt  }
0x82: {  	_ =	shalt  }
0x83: {  	_ =	shalt  }
0x84: {  	_ =	shalt  }
0x85: {  	_ =	shalt  }
0x86: {  	_ =	shalt  }
0x87: {  	_ =	shalt  }
.Lfunc_end0:
.L_simem_size_0:
called_computation.1_lowered:
.L_overlay_start_0:
0x88: {  	s2 =	sld [smem:$0x3FD9]  }
0x89: {  	s3 =	sld [smem:$0x3FFE];
	_ =	sdelay $0x1  }
0x8a: {  	s1 =	srdreg.scid  }
0x8b: {  	s0 =	sand.u32 $0x1, s1  }
0x8c: {  	s16 =	sshll.u32 s0, $0xA;
	s2 =	sadd.s32 s3, s2  }
0x8d: {  	s2 =	sadd.s32 s2, s16  }
0x8e: {  	[smem:$0x3FAE] =	sst s2  }
0x8f: {  	_ = 	snop  }
0x90: {  	(tm) =	ssettm $0x1  }
0x91: {  	s17 =	sld [smem:$0x3FFB];
	_ =	sdelay $0x3  }
0x92: {  	_ =	strace s17  }
0x93: {  	s2 =	sld [smem:$0x3FFC];
	_ =	sdelay $0x3  }
0x94: {  	_ =	strace s2  }
0x95: {  	s2 =	sld [smem:$0x3FFD];
	_ =	sdelay $0x3  }
0x96: {  	_ =	strace s2  }
0x97: {  	_ =	strace $0x8FFFFFFF  }
0x98: {  	s18 =	sld [smem:$0x3FDB];
	_ =	sdelay $0x1  }
0x99: {  	s19 =	simm.s32 $_scs_section_size  }
0x9a: {  	s4 =	simm.s32 $_size__tile_overlayer_lowered;
	s5 =	simm.s32 $_tile_overlayer_lowered  }
0x9b: {  	s22 =	simm.s32 $0x1BFF;
	s21 =	sshll.u32 s5, $0x1;
	s2 =	sadd.s32 s19, s18  }
0x9c: {  	s6 =	simm.s32 $0x0;
	s20 =	sshll.u32 s4, $0x1;
	s4 =	sadd.s32 s21, s2  }
0x9d: {  	[timem:s6], [sflag:s22] =	dma.local [hbm:s4], s20  }
0x9e: {  	_ =	swait.ge [sflag:s22], s20  }
0x9f: {  	s3 =	ssub.s32 $0x0, s20;
	[sflag:s22] =	ssyncset.done $0x0  }
0xa0: {  	[sflag:s22] =	ssyncadd.s32 s3;
	_ =	sdelay $0x1  }
0xa1: {  	s23 =	simm.s32 $0x1B8B  }
0xa2: {  	_ =	swait.ge [sflag:s23], $0x1  }
0xa3: {  	[sflag:s23] =	ssyncset.done $0x0  }
0xa4: {  	s25 =	simm.s32 $0x1B8E;
	s24 =	sld [smem:$0x3FFE];
	[sflag:s23] =	ssyncadd.s32 $0xFFFFFFFF  }
0xa5: {  	s26 =	simm.s32 $execute0_lowered;
	[smem:$0x3FD2] =	sst s25  }
0xa6: {  	s4 =	sshll.u32 s26, $0x1;
	_ =	strace $0x80000046;
	[dreg:$0x1] =	wrdreg $0xFFFFFFFF  }
0xa7: {  	s28 =	simm.s32 $_size_execute0_lowered;
	s2 =	sadd.s32 s2, s4;
	[dreg:$0x0] =	wrdreg $0x0  }
0xa8: {  	s4 =	sshll.u32 s28, $0x1;
	[dreg:$0x2] =	wrdreg s2  }
0xa9: {  	[dreg:$0x3] =	wrdreg s4  }
0xaa: {  	[dreg:$0x4] =	wrdreg $0xC0  }
0xab: {  	_ =	task [dreg:s6], $0x5FFFF  }
0xac: {  	[dreg:$0x1] =	wrdreg $0xFFFFFFFF  }
0xad: {  	[dreg:$0x0] =	wrdreg $0x60  }
0xae: {  	[dreg:$0x2] =	wrdreg s24  }
0xaf: {  	[dreg:$0x3] =	wrdreg $0xA  }
0xb0: {  	_ =	task.clear_ibuf [dreg:s6], $0x4FFFF;
	_ =	strace $0x90000046  }
0xb1: {  	s29 =	simm.s32 $0xA;
	_ =	strace $0x80000048  }
0xb2: {  	_ =	swait.ge [sflag:s29], $0x1  }
0xb3: {  	[sflag:s29] =	ssyncadd.s32 $0xFFFFFFFF  }
0xb4: {  	_ =	strace $0x90000048  }
0xb5: {  	_ =	sfence  }
0xb6: {  	s30 =	sld [smem:$0x0];
	_ =	sdelay $0x2  }
0xb7: {  	s31 =	sshll.u32 s1, $0xD;
	s1 =	sshrl.u32 s1, $0x2  }
0xb8: {  	s3 =	sand.u32 $0x4000, s31;
	s1 =	sadd.s32 s1, s30  }
0xb9: {  	s0 =	sor.u32 s3, s0;
	s1 =	sshll.u32 s1, $0x11  }
0xba: {  	s0 =	sor.u32 s1, s0  }
0xbb: {  	s0 =	sadd.s32 $0x8F2B, s0  }
0xbc: {  	[sflag:s0] =	ssyncadd.remote.s32 $0x1  }
0xbd: {  	_ =	sfence.sel $0xFFFF  }
0xbe: {  	[dreg:$0x0] =	wrdreg $0xFFFFFFFF;
	(pc) =	sbr.abs _section_cstart, $3  }
0xbf: {  	[dreg:$0x1] =	wrdreg $0xFFFFFFFF  }
0xc0: {  	_ =	task.clear_ibuf [dreg:s6], $0x2FFFF;
	_ =	strace $0x9FFFFFFF  }
0xc1: {  	(tm) =	ssettm $0x7FFFFFFF  }
tec
execute0_lowered:
.L_overlay_start_1:
0x0: {  	(tag) =	ssettag $0x1  }
0x1: {  	s1 =	srdreg.scid;
	s0 =	stileid.u32  }
0x2: {  	s6 =	rddreg [dreg:$0x0];
	s2 =	simm.s32 $0x0;
	s10 =	simm.s32 $0x3E8  }
0x3: {  	s11 =	simm.s32 $0x7D0;
	s12 =	simm.s32 $0x3;
	s13 =	simm.s32 $0x0  }
0x4: {  	s5 =	sand.u32 $0x1, s1;
	s3 =	sshll.u32 s0, $0x1;
	s1 =	rddreg [dreg:$0x1]  }
.Ltmp0:
0x5: {  	[smem:$0x7FF] =	sst s2;
	s3 =	sor.u32 s5, s3;
	(pc) =	sbr.rel .LBB2_1-.Ltmp0, $4  }
0x6: {  	s4 =	sadd.s32 $0xCB000, s6;
	s7 =	ssub.s32 $0x2, s5;
	s3 =	smul.u32 $0x61A8, s3  }
0x7: {  	_ =	strace $0x80000047;
	s5 =	sadd.s32 $0xFBE00, s6;
	s8 =	sshrl.u32 s7, $0x1  }
0x8: {  	s6 =	sadd.s32 $0x114600, s6;
	s8 =	ssub.s32 s7, s8;
	s9 =	sshrl.u32 s3, $0x3  }
0x9: {  	s8 =	smax.u32 s8, $0x1;
	s7 =	sadd.s32 s5, s9;
	s9 =	simm.s32 $0x1  }
.LBB2_5:
0xa: {  	s13 =	sadd.s32 $0x1, s13  }
0xb: {  	p0 =	sne.s32 s13, s8  }
.Ltmp1:
0xc: {  	_ = 	snop;
	(pc) =	sbr.rel @!p0 .LBB2_6-.Ltmp1, $4  }
0xd: {  	_ = 	snop  }
0xe: {  	_ =	swait.ge [sflag:s12], $0x7D00  }
0xf: {  	[sflag:s12] =	ssyncset.done $0x0  }
0x10: {  	[sflag:s12] =	ssyncadd.s32 $0xFFFF8300  }
.LBB2_1:
0x11: {  	[tilespmem:s2], [sflag:$0x1] =	stream.linear.gather [hbm4b:s7+s2], $0x3E8, $0x38;
	[tilespmem:$0x101D0] =	vst v63  }
.Ltmp2:
0x12: {  	_ = 	snop;
	(pc) =	sbr.rel .LBB2_2-.Ltmp2, $4  }
0x13: {  	_ =	swait.ge [sflag:s9], $0x3E8  }
0x14: {  	[sflag:s9] =	ssyncset.done $0x0  }
0x15: {  	s14 =	simm.s32 $0x0;
	[sflag:s9] =	ssyncadd.s32 $0xFFFFFC18  }
0x16: {  	[tilespmem:s11], [sflag:$0x1] =	stream.indirect.gather [hbm4b:s4+s10], $0x20, s2, s10, $0xb8;
	[tilespmem:$0x101D0] =	vst v63  }
.LBB2_4:
0x17: {  	s14 =	smul.u32 $0x3E8, s14  }
0x18: {  	s17 =	sadd.s32 $0x1, s16  }
0x19: {  	s31 =	smul.u32 $0x1F400, s16;
	p0 =	slt.u32 s15, $0x19;
	s14 =	sadd.s32 s3, s14  }
.Ltmp3:
0x1a: {  	_ =	swait.ge [sflag:s17], $0x7D00;
	s14 =	sshll.u32 s14, $0x2;
	(pc) =	sbr.rel @!p0 .LBB2_5-.Ltmp3, $4  }
0x1b: {  	[sflag:s17] =	ssyncset.done $0x0;
	s16 =	sshrl.u32 s31, $0x2;
	s14 =	sand.u32 $0x1FFFFFE0, s14  }
0x1c: {  	[sflag:s17] =	ssyncadd.s32 $0xFFFF8300;
	s16 =	sadd.s32 $0x7D0, s16;
	s14 =	sadd.s32 s6, s14  }
0x1d: {  	[hbm4b:s14+s2] =	stream.linear.scatter [tilespmem:s16], [sflag:$0x3], $0x7D00, $0x38;
	[tilespmem:$0x101D0] =	vst v63  }
0x1e: {  	s14 =	smov.u32 s15  }
.LBB2_2:
0x1f: {  	p0 =	seq.s32 s14, $0x0  }
0x20: {  	p1 =	seq.s32 @!p0 s14, $0x18  }
0x21: {  	p1 =	por p0, !p1  }
.Ltmp4:
0x22: {  	_ = 	snop;
	(pc) =	sbr.rel @!p1 .LBB2_4-.Ltmp4, $4  }
0x23: {  	s15 =	simm.s32 @!p0 $0x3  }
0x24: {  	_ =	swait.ge @!p0 [sflag:s15], $0x7D00  }
0x25: {  	[sflag:s15] =	ssyncset.done @!p0 $0x0  }
0x26: {  	s16 =	sand.u32 $0x1, s14;
	[sflag:s15] =	ssyncadd.s32 @!p0 $0xFFFF8300;
	s15 =	simm.s32 @!p0 $0x19  }
0x27: {  	s15 =	sadd.s32 @!p0 $0x1, s14  }
0x28: {  	s15 =	simm.s32 @p0 $0x1  }
0x29: {  	s17 =	smul.u32 $0x3E8, s15  }
0x2a: {  	s18 =	sxor.u32 $0x1, s16  }
0x2b: {  	s19 =	smul.u32 $0xFA0, s18;
	s17 =	sadd.s32 s3, s17  }
0x2c: {  	s20 =	sadd.s32 $0x1, s18;
	s17 =	sshrl.u32 s17, $0x3  }
0x2d: {  	s31 =	smul.u32 $0x1F400, s18;
	s19 =	sshrl.u32 s19, $0x2;
	s17 =	sadd.s32 s5, s17  }
0x2e: {  	[tilespmem:s19], [sflag:s20] =	stream.linear.gather [hbm4b:s17+s2], $0x3E8, $0x38;
	[tilespmem:$0x101D0] =	vst v63  }
.Ltmp5:
0x2f: {  	_ = 	snop;
	(pc) =	sbr.rel .LBB2_4-.Ltmp5, $4  }
0x30: {  	_ =	swait.ge [sflag:s20], $0x3E8  }
0x31: {  	s17 =	sshrl.u32 s31, $0x2;
	[sflag:s20] =	ssyncset.done $0x0  }
0x32: {  	s17 =	sadd.s32 $0x7D0, s17;
	[sflag:s20] =	ssyncadd.s32 $0xFFFFFC18  }
0x33: {  	[tilespmem:s17], [sflag:s20] =	stream.indirect.gather [hbm4b:s4+s10], $0x20, s19, s10, $0xb8;
	[tilespmem:$0x101D0] =	vst v63  }
.LBB2_6:
0x34: {  	_ =	sfence.sel $0x180000  }
0x35: {  	[bflag:$0x0] =	sbarrier.arrive $0xFFFF  }
0x36: {  	p0 =	sne.s32 s0, $0x0;
	_ =	strace $0x90000047  }
0x37: {  	s0 =	sadd.s32 @!p0 $0x100000, s1;
	[bflag:$0x2] =	sbarrier.arrive $0xFFFF  }
0x38: {  	[sflag:s0] =	ssyncadd.tile.s32 @!p0 $0x1;
	_ =	shalt  }
.Lfunc_end2:
_tile_overlayer_lowered:
.L_overlay_start_2:
0x39: {  	(tag) =	ssettag $0x2  }
0x3a: {  	s0 =	rddreg [dreg:$0x0];
	s2 =	stileid.u32  }
0x3b: {  	s1 =	rddreg [dreg:$0x1];
	p0 =	sne.s32 s2, $0x0  }
0x3c: {  	s3 =	rddreg [dreg:$0x2];
	[bflag:$0x3] =	sbarrier.arrive $0xFFFF;
	s2 =	simm.s32 @!p0 $0x1C04  }
0x3d: {  	[timem:s3], [sflag:s2] =	dma.local @!p0 [hbm:s0], s1  }
0x3e: {  	s0 =	simm.s32 @!p0 $0x4  }
0x3f: {  	_ =	swait.ge @!p0 [sflag:s0], s1  }
0x40: {  	s1 =	ssub.s32 @!p0 $0x0, s1;
	[sflag:s0] =	ssyncset.done @!p0 $0x0  }
0x41: {  	[sflag:s0] =	ssyncadd.s32 @!p0 s1  }
0x42: {  	[bflag:$0x3] =	sbarrier.arrive $0xFFFF  }
0x43: {  	_ =	shalt  }

// kernel: kernel.19.cloned.1.call-start
scs
__scs_entry_jumppad:
0x0: {  	(pc) =	sbr.rel $0x88, $3  }
0x1: {  	(tag) =	ssettag $0x0;
	lr =	simm.s32 $0x1  }
0x2: {  	[smem:$0x3F87] =	sst lr;
	_ =	strace $0xD0000000  }
0x3: {  	_ = 	snop  }
0x4: {  	_ = 	snop  }
0x5: {  	_ = 	snop  }
0x6: {  	_ = 	snop  }
0x7: {  	_ = 	snop  }
__scs_overlays_trampoline_lowered:
0x8: {  	[smem:$0x3F96] =	sst s0  }
0x9: {  	[smem:$0x3F97] =	sst s1  }
0xa: {  	[smem:$0x3F98] =	sst s2  }
0xb: {  	[smem:$0x3F99] =	sst s3  }
0xc: {  	[smem:$0x3F9A] =	sst s4  }
0xd: {  	[smem:$0x3F9B] =	sst s5  }
0xe: {  	[smem:$0x3F9C] =	sst s6  }
0xf: {  	[smem:$0x3F9D] =	sst s7  }
0x10: {  	[smem:$0x3F9E] =	sst s8  }
0x11: {  	[smem:$0x3F9F] =	sst s9;
	s0 =	simm.s32 @!p0 $0x0  }
0x12: {  	s1 =	sld [smem:$0x3F85];
	s0 =	simm.s32 @p0 $0x1  }
0x13: {  	[smem:$0x3FA0] =	sst s0;
	s0 =	simm.s32 @!p1 $0x0  }
0x14: {  	s2 =	sld [smem:$0x3F84];
	s0 =	simm.s32 @p1 $0x1  }
0x15: {  	[smem:$0x3FA1] =	sst s0;
	s0 =	simm.s32 @!p2 $0x0  }
0x16: {  	s3 =	sld [smem:$0x3FDB];
	s0 =	simm.s32 @p2 $0x1  }
0x17: {  	s4 =	simm.s32 $0x1BF5;
	[smem:$0x3FA3] =	sst s0  }
0x18: {  	s0 =	sld [smem:$0x3F86];
	_ =	swait.ge [sflag:s4], $0x0  }
0x19: {  	s7 =	sld [smem:$0x3F87]  }
0x1a: {  	s8 =	sadd.s32 $0xFFFFE003, lr  }
0x1b: {  	s9 =	sadd.s32 $0xFFFFFEF7, lr;
	s5 =	simm.s32 $0xFFFFFFFF;
	p2 =	slt.u32 s8, $0xFFFFF086  }
0x1c: {  	p1 =	slt.u32 s9, $0xF7A;
	s5 =	simm.s32 @!p2 $0x0  }
0x1d: {  	s5 =	simm.s32 @p1 $0x1;
	p0 =	seq.s32 s7, s2  }
0x1e: {  	s7 =	smul.u32 @!p0 $0xF7A, s2;
	p2 =	seq.s32 @!p0 s5, $0x0  }
0x1f: {  	s9 =	smul.u32 $0xF7A, s1;
	s8 =	simm.s32 @!p0 $0x1BF5;
	p2 =	por !p2, p0  }
0x20: {  	[sflag:s8] =	ssyncset.s32 @!p0 $0xFFFFF086;
	s6 =	sadd.s32 @!p0 s3, s7;
	s7 =	simm.s32 @!p0 $0x108  }
0x21: {  	s3 =	sadd.s32 s3, s9;
	s6 =	sadd.s32 @!p0 $0x88, s6;
	s7 =	simm.s32 @p2 $0x1082  }
0x22: {  	[simem:s7], [sflag:s8] =	dma.local @!p0 [hbm:s6], $0xF7A  }
0x23: {  	s9 =	sor.u32 $0xD0000000, s2;
	s6 =	simm.s32 $0x108;
	_ =	swait.ge @!p0 [sflag:s8], $0x0  }
0x24: {  	s3 =	sadd.s32 $0x88, s3;
	s6 =	simm.s32 @!p1 $0x1082;
	[sflag:s4] =	ssyncset.s32 $0xFFFFF086  }
0x25: {  	[simem:s6], [sflag:s4] =	dma.local [hbm:s3], $0xF7A  }
0x26: {  	[smem:$0x3F87] =	sst s1;
	(tag) =	ssettag s2;
	_ =	strace s9  }
0x27: {  	s1 =	sld [smem:$0x3F97]  }
0x28: {  	s2 =	sld [smem:$0x3F98]  }
0x29: {  	s4 =	sld [smem:$0x3F9A]  }
0x2a: {  	p0 =	seq.s32 s5, $0x0;
	s5 =	sld [smem:$0x3F9B]  }
0x2b: {  	s6 =	sld [smem:$0x3F9C]  }
0x2c: {  	s7 =	sld [smem:$0x3F9D]  }
0x2d: {  	s3 =	simm.s32 $0x108;
	s8 =	sld [smem:$0x3F9E]  }
0x2e: {  	s3 =	simm.s32 @!p0 $0x1082;
	s9 =	sld [smem:$0x3F9F]  }
0x2f: {  	lr =	sadd.s32 s0, s3;
	s0 =	sld [smem:$0x3F96]  }
0x30: {  	s3 =	sld [smem:$0x3F99]  }
0x31: {  	[smem:$0x3FA2] =	sst s10  }
0x32: {  	s10 =	sld [smem:$0x3FA0];
	_ =	sdelay $0x3  }
0x33: {  	p0 =	seq.s32 s10, $0x1;
	s10 =	sld [smem:$0x3FA2];
	_ =	sdelay $0x3  }
0x34: {  	[smem:$0x3FA2] =	sst s10  }
0x35: {  	s10 =	sld [smem:$0x3FA1];
	_ =	sdelay $0x3  }
0x36: {  	p1 =	seq.s32 s10, $0x1;
	s10 =	sld [smem:$0x3FA2];
	_ =	sdelay $0x3  }
0x37: {  	[smem:$0x3FA2] =	sst s10  }
0x38: {  	s10 =	sld [smem:$0x3FA3]  }
0x39: {  	_ = 	snop;
	(pc) =	sbr.ind lr, $3  }
0x3a: {  	_ = 	snop  }
0x3b: {  	_ = 	snop  }
0x3c: {  	p2 =	seq.s32 s10, $0x1;
	s10 =	sld [smem:$0x3FA2]  }
0x3d: {  	_ =	shalt  }
0x3e: {  	_ =	shalt  }
0x3f: {  	_ =	shalt  }
0x40: {  	_ =	shalt  }
0x41: {  	_ =	shalt  }
0x42: {  	_ =	shalt  }
0x43: {  	_ =	shalt  }
0x44: {  	_ =	shalt  }
0x45: {  	_ =	shalt  }
0x46: {  	_ =	shalt  }
0x47: {  	_ =	shalt  }
0x48: {  	_ =	shalt  }
0x49: {  	_ =	shalt  }
0x4a: {  	_ =	shalt  }
0x4b: {  	_ =	shalt  }
0x4c: {  	_ =	shalt  }
0x4d: {  	_ =	shalt  }
0x4e: {  	_ =	shalt  }
0x4f: {  	_ =	shalt  }
0x50: {  	_ =	shalt  }
0x51: {  	_ =	shalt  }
0x52: {  	_ =	shalt  }
0x53: {  	_ =	shalt  }
0x54: {  	_ =	shalt  }
0x55: {  	_ =	shalt  }
0x56: {  	_ =	shalt  }
0x57: {  	_ =	shalt  }
0x58: {  	_ =	shalt  }
0x59: {  	_ =	shalt  }
0x5a: {  	_ =	shalt  }
0x5b: {  	_ =	shalt  }
0x5c: {  	_ =	shalt  }
0x5d: {  	_ =	shalt  }
0x5e: {  	_ =	shalt  }
0x5f: {  	_ =	shalt  }
0x60: {  	_ =	shalt  }
0x61: {  	_ =	shalt  }
0x62: {  	_ =	shalt  }
0x63: {  	_ =	shalt  }
0x64: {  	_ =	shalt  }
0x65: {  	_ =	shalt  }
0x66: {  	_ =	shalt  }
0x67: {  	_ =	shalt  }
0x68: {  	_ =	shalt  }
0x69: {  	_ =	shalt  }
0x6a: {  	_ =	shalt  }
0x6b: {  	_ =	shalt  }
0x6c: {  	_ =	shalt  }
0x6d: {  	_ =	shalt  }
0x6e: {  	_ =	shalt  }
0x6f: {  	_ =	shalt  }
0x70: {  	_ =	shalt  }
0x71: {  	_ =	shalt  }
0x72: {  	_ =	shalt  }
0x73: {  	_ =	shalt  }
0x74: {  	_ =	shalt  }
0x75: {  	_ =	shalt  }
0x76: {  	_ =	shalt  }
0x77: {  	_ =	shalt  }
0x78: {  	_ =	shalt  }
0x79: {  	_ =	shalt  }
0x7a: {  	_ =	shalt  }
0x7b: {  	_ =	shalt  }
0x7c: {  	_ =	shalt  }
0x7d: {  	_ =	shalt  }
0x7e: {  	_ =	shalt  }
0x7f: {  	_ =	shalt  }
0x80: {  	_ =	shalt  }
0x81: {  	_ =	shalt  }
0x82: {  	_ =	shalt  }
0x83: {  	_ =	shalt  }
0x84: {  	_ =	shalt  }
0x85: {  	_ =	shalt  }
0x86: {  	_ =	shalt  }
0x87: {  	_ =	shalt  }
.Lfunc_end0:
.L_simem_size_0:
called_computation.2_lowered:
.L_overlay_start_0:
0x88: {  	s2 =	sld [smem:$0x3FD9]  }
0x89: {  	s3 =	sld [smem:$0x3FFE];
	_ =	sdelay $0x1  }
0x8a: {  	s1 =	srdreg.scid  }
0x8b: {  	s0 =	sand.u32 $0x1, s1  }
0x8c: {  	s16 =	sshll.u32 s0, $0xA;
	s2 =	sadd.s32 s3, s2  }
0x8d: {  	s2 =	sadd.s32 s2, s16  }
0x8e: {  	[smem:$0x3FAE] =	sst s2  }
0x8f: {  	_ = 	snop  }
0x90: {  	(tm) =	ssettm $0x1  }
0x91: {  	s17 =	sld [smem:$0x3FFB];
	_ =	sdelay $0x3  }
0x92: {  	_ =	strace s17  }
0x93: {  	s2 =	sld [smem:$0x3FFC];
	_ =	sdelay $0x3  }
0x94: {  	_ =	strace s2  }
0x95: {  	s2 =	sld [smem:$0x3FFD];
	_ =	sdelay $0x3  }
0x96: {  	_ =	strace s2  }
0x97: {  	_ =	strace $0x8FFFFFFF  }
0x98: {  	s18 =	sld [smem:$0x3FDB];
	_ =	sdelay $0x1  }
0x99: {  	s19 =	simm.s32 $_scs_section_size  }
0x9a: {  	s4 =	simm.s32 $_size__tile_overlayer_lowered;
	s5 =	simm.s32 $_tile_overlayer_lowered  }
0x9b: {  	s22 =	simm.s32 $0x1BFF;
	s21 =	sshll.u32 s5, $0x1;
	s2 =	sadd.s32 s19, s18  }
0x9c: {  	s6 =	simm.s32 $0x0;
	s20 =	sshll.u32 s4, $0x1;
	s4 =	sadd.s32 s21, s2  }
0x9d: {  	[timem:s6], [sflag:s22] =	dma.local [hbm:s4], s20  }
0x9e: {  	_ =	swait.ge [sflag:s22], s20  }
0x9f: {  	s3 =	ssub.s32 $0x0, s20;
	[sflag:s22] =	ssyncset.done $0x0  }
0xa0: {  	[sflag:s22] =	ssyncadd.s32 s3;
	_ =	sdelay $0x1  }
0xa1: {  	s23 =	simm.s32 $0x1B8B  }
0xa2: {  	_ =	swait.ge [sflag:s23], $0x1  }
0xa3: {  	[sflag:s23] =	ssyncset.done $0x0  }
0xa4: {  	s25 =	simm.s32 $0x1B8E;
	s24 =	sld [smem:$0x3FFE];
	[sflag:s23] =	ssyncadd.s32 $0xFFFFFFFF  }
0xa5: {  	s26 =	simm.s32 $execute0_lowered;
	[smem:$0x3FD2] =	sst s25  }
0xa6: {  	s4 =	sshll.u32 s26, $0x1;
	_ =	strace $0x8000004C;
	[dreg:$0x1] =	wrdreg $0xFFFFFFFF  }
0xa7: {  	s28 =	simm.s32 $_size_execute0_lowered;
	s2 =	sadd.s32 s2, s4;
	[dreg:$0x0] =	wrdreg $0x0  }
0xa8: {  	s4 =	sshll.u32 s28, $0x1;
	[dreg:$0x2] =	wrdreg s2  }
0xa9: {  	[dreg:$0x3] =	wrdreg s4  }
0xaa: {  	[dreg:$0x4] =	wrdreg $0xC0  }
0xab: {  	_ =	task [dreg:s6], $0x5FFFF  }
0xac: {  	[dreg:$0x1] =	wrdreg $0xFFFFFFFF  }
0xad: {  	[dreg:$0x0] =	wrdreg $0x60  }
0xae: {  	[dreg:$0x2] =	wrdreg s24  }
0xaf: {  	[dreg:$0x3] =	wrdreg $0x9  }
0xb0: {  	_ =	task.clear_ibuf [dreg:s6], $0x4FFFF;
	_ =	strace $0x9000004C  }
0xb1: {  	s29 =	simm.s32 $0x9;
	_ =	strace $0x8000004E  }
0xb2: {  	_ =	swait.ge [sflag:s29], $0x1  }
0xb3: {  	[sflag:s29] =	ssyncadd.s32 $0xFFFFFFFF  }
0xb4: {  	_ =	strace $0x9000004E  }
0xb5: {  	_ =	sfence  }
0xb6: {  	s30 =	sld [smem:$0x0];
	_ =	sdelay $0x2  }
0xb7: {  	s31 =	sshll.u32 s1, $0xD;
	s1 =	sshrl.u32 s1, $0x2  }
0xb8: {  	s3 =	sand.u32 $0x4000, s31;
	s1 =	sadd.s32 s1, s30  }
0xb9: {  	s0 =	sor.u32 s3, s0;
	s1 =	sshll.u32 s1, $0x11  }
0xba: {  	s0 =	sor.u32 s1, s0  }
0xbb: {  	s0 =	sadd.s32 $0x8F2B, s0  }
0xbc: {  	[sflag:s0] =	ssyncadd.remote.s32 $0x1  }
0xbd: {  	_ =	sfence.sel $0xFFFF  }
0xbe: {  	[dreg:$0x0] =	wrdreg $0xFFFFFFFF;
	(pc) =	sbr.abs _section_cstart, $3  }
0xbf: {  	[dreg:$0x1] =	wrdreg $0xFFFFFFFF  }
0xc0: {  	_ =	task.clear_ibuf [dreg:s6], $0x2FFFF;
	_ =	strace $0x9FFFFFFF  }
0xc1: {  	(tm) =	ssettm $0x7FFFFFFF  }
tec
execute0_lowered:
.L_overlay_start_1:
0x0: {  	(tag) =	ssettag $0x1  }
0x1: {  	s1 =	srdreg.scid;
	s0 =	stileid.u32  }
0x2: {  	s6 =	rddreg [dreg:$0x0];
	s2 =	simm.s32 $0x0;
	s10 =	simm.s32 $0x3E8  }
0x3: {  	s11 =	simm.s32 $0x7D0;
	s12 =	simm.s32 $0x3;
	s13 =	simm.s32 $0x0  }
0x4: {  	s5 =	sand.u32 $0x1, s1;
	s3 =	sshll.u32 s0, $0x1;
	s1 =	rddreg [dreg:$0x1]  }
.Ltmp0:
0x5: {  	[smem:$0x7FF] =	sst s2;
	s3 =	sor.u32 s5, s3;
	(pc) =	sbr.rel .LBB2_1-.Ltmp0, $4  }
0x6: {  	s4 =	sadd.s32 $0x114600, s6;
	s7 =	ssub.s32 $0x2, s5;
	s3 =	smul.u32 $0x61A8, s3  }
0x7: {  	_ =	strace $0x8000004D;
	s5 =	sadd.s32 $0xFBE00, s6;
	s8 =	sshrl.u32 s7, $0x1  }
0x8: {  	s6 =	sadd.s32 $0x145400, s6;
	s8 =	ssub.s32 s7, s8;
	s9 =	sshrl.u32 s3, $0x3  }
0x9: {  	s8 =	smax.u32 s8, $0x1;
	s7 =	sadd.s32 s5, s9;
	s9 =	simm.s32 $0x1  }
.LBB2_5:
0xa: {  	s13 =	sadd.s32 $0x1, s13  }
0xb: {  	p0 =	sne.s32 s13, s8  }
.Ltmp1:
0xc: {  	_ = 	snop;
	(pc) =	sbr.rel @!p0 .LBB2_6-.Ltmp1, $4  }
0xd: {  	_ = 	snop  }
0xe: {  	_ =	swait.ge [sflag:s12], $0x7D00  }
0xf: {  	[sflag:s12] =	ssyncset.done $0x0  }
0x10: {  	[sflag:s12] =	ssyncadd.s32 $0xFFFF8300  }
.LBB2_1:
0x11: {  	[tilespmem:s2], [sflag:$0x1] =	stream.linear.gather [hbm4b:s7+s2], $0x3E8, $0x38;
	[tilespmem:$0x101D0] =	vst v63  }
.Ltmp2:
0x12: {  	_ = 	snop;
	(pc) =	sbr.rel .LBB2_2-.Ltmp2, $4  }
0x13: {  	_ =	swait.ge [sflag:s9], $0x3E8  }
0x14: {  	[sflag:s9] =	ssyncset.done $0x0  }
0x15: {  	s14 =	simm.s32 $0x0;
	[sflag:s9] =	ssyncadd.s32 $0xFFFFFC18  }
0x16: {  	[tilespmem:s11], [sflag:$0x1] =	stream.indirect.gather [hbm4b:s4+s10], $0x20, s2, s10, $0xb8;
	[tilespmem:$0x101D0] =	vst v63  }
.LBB2_4:
0x17: {  	s14 =	smul.u32 $0x3E8, s14  }
0x18: {  	s17 =	sadd.s32 $0x1, s16  }
0x19: {  	s31 =	smul.u32 $0x1F400, s16;
	p0 =	slt.u32 s15, $0x19;
	s14 =	sadd.s32 s3, s14  }
.Ltmp3:
0x1a: {  	_ =	swait.ge [sflag:s17], $0x7D00;
	s14 =	sshll.u32 s14, $0x2;
	(pc) =	sbr.rel @!p0 .LBB2_5-.Ltmp3, $4  }
0x1b: {  	[sflag:s17] =	ssyncset.done $0x0;
	s16 =	sshrl.u32 s31, $0x2;
	s14 =	sand.u32 $0x1FFFFFE0, s14  }
0x1c: {  	[sflag:s17] =	ssyncadd.s32 $0xFFFF8300;
	s16 =	sadd.s32 $0x7D0, s16;
	s14 =	sadd.s32 s6, s14  }
0x1d: {  	[hbm4b:s14+s2] =	stream.linear.scatter [tilespmem:s16], [sflag:$0x3], $0x7D00, $0x38;
	[tilespmem:$0x101D0] =	vst v63  }
0x1e: {  	s14 =	smov.u32 s15  }
.LBB2_2:
0x1f: {  	p0 =	seq.s32 s14, $0x0  }
0x20: {  	p1 =	seq.s32 @!p0 s14, $0x18  }
0x21: {  	p1 =	por p0, !p1  }
.Ltmp4:
0x22: {  	_ = 	snop;
	(pc) =	sbr.rel @!p1 .LBB2_4-.Ltmp4, $4  }
0x23: {  	s15 =	simm.s32 @!p0 $0x3  }
0x24: {  	_ =	swait.ge @!p0 [sflag:s15], $0x7D00  }
0x25: {  	[sflag:s15] =	ssyncset.done @!p0 $0x0  }
0x26: {  	s16 =	sand.u32 $0x1, s14;
	[sflag:s15] =	ssyncadd.s32 @!p0 $0xFFFF8300;
	s15 =	simm.s32 @!p0 $0x19  }
0x27: {  	s15 =	sadd.s32 @!p0 $0x1, s14  }
0x28: {  	s15 =	simm.s32 @p0 $0x1  }
0x29: {  	s17 =	smul.u32 $0x3E8, s15  }
0x2a: {  	s18 =	sxor.u32 $0x1, s16  }
0x2b: {  	s19 =	smul.u32 $0xFA0, s18;
	s17 =	sadd.s32 s3, s17  }
0x2c: {  	s20 =	sadd.s32 $0x1, s18;
	s17 =	sshrl.u32 s17, $0x3  }
0x2d: {  	s31 =	smul.u32 $0x1F400, s18;
	s19 =	sshrl.u32 s19, $0x2;
	s17 =	sadd.s32 s5, s17  }
0x2e: {  	[tilespmem:s19], [sflag:s20] =	stream.linear.gather [hbm4b:s17+s2], $0x3E8, $0x38;
	[tilespmem:$0x101D0] =	vst v63  }
.Ltmp5:
0x2f: {  	_ = 	snop;
	(pc) =	sbr.rel .LBB2_4-.Ltmp5, $4  }
0x30: {  	_ =	swait.ge [sflag:s20], $0x3E8  }
0x31: {  	s17 =	sshrl.u32 s31, $0x2;
	[sflag:s20] =	ssyncset.done $0x0  }
0x32: {  	s17 =	sadd.s32 $0x7D0, s17;
	[sflag:s20] =	ssyncadd.s32 $0xFFFFFC18  }
0x33: {  	[tilespmem:s17], [sflag:s20] =	stream.indirect.gather [hbm4b:s4+s10], $0x20, s19, s10, $0xb8;
	[tilespmem:$0x101D0] =	vst v63  }
.LBB2_6:
0x34: {  	_ =	sfence.sel $0x180000  }
0x35: {  	[bflag:$0x0] =	sbarrier.arrive $0xFFFF  }
0x36: {  	p0 =	sne.s32 s0, $0x0;
	_ =	strace $0x9000004D  }
0x37: {  	s0 =	sadd.s32 @!p0 $0x100000, s1;
	[bflag:$0x2] =	sbarrier.arrive $0xFFFF  }
0x38: {  	[sflag:s0] =	ssyncadd.tile.s32 @!p0 $0x1;
	_ =	shalt  }
.Lfunc_end2:
_tile_overlayer_lowered:
.L_overlay_start_2:
0x39: {  	(tag) =	ssettag $0x2  }
0x3a: {  	s0 =	rddreg [dreg:$0x0];
	s2 =	stileid.u32  }
0x3b: {  	s1 =	rddreg [dreg:$0x1];
	p0 =	sne.s32 s2, $0x0  }
0x3c: {  	s3 =	rddreg [dreg:$0x2];
	[bflag:$0x3] =	sbarrier.arrive $0xFFFF;
	s2 =	simm.s32 @!p0 $0x1C04  }
0x3d: {  	[timem:s3], [sflag:s2] =	dma.local @!p0 [hbm:s0], s1  }
0x3e: {  	s0 =	simm.s32 @!p0 $0x4  }
0x3f: {  	_ =	swait.ge @!p0 [sflag:s0], s1  }
0x40: {  	s1 =	ssub.s32 @!p0 $0x0, s1;
	[sflag:s0] =	ssyncset.done @!p0 $0x0  }
0x41: {  	[sflag:s0] =	ssyncadd.s32 @!p0 s1  }
0x42: {  	[bflag:$0x3] =	sbarrier.arrive $0xFFFF  }
0x43: {  	_ =	shalt  }

</sc_bundles>
